<compile_context>
chip_gen: v7x
topology: tpu7x:2x2x1
jax: 0.10.2.dev20260603
libtpu: 0.0.44.dev20260713+nightly
codegen_flags: <defaults>
</compile_context>

<pallas_src>
import functools

import jax
import jax.numpy as jnp
from jax import lax
from jax.experimental import pallas as pl
from jax.experimental.pallas import tpu as pltpu
from jax.experimental.pallas import tpu_sc as plsc

N = 10000
E = 320000
D = 128
K = 4

NC = 2
NS = 16
NW = NC * NS
C = 80
NCHUNK = 128
EP = NW * NCHUNK * C
GB = 16
NGROUP = NCHUNK // GB
NP = 10240
STRIPE = NP // NS
TRASH = N + 64



_YBN = 1000


def _y_body(x_ref, emb_ref, y_ref):
    y_ref[...] = jnp.maximum(x_ref[...][None, :, :] + emb_ref[...][:, None, :], 0.0)


def _build_y(x, edge_emb):
    return pl.pallas_call(
        _y_body,
        grid=(N // _YBN,),
        in_specs=[
            pl.BlockSpec((_YBN, D), lambda r: (r, 0)),
            pl.BlockSpec((K, D), lambda r: (0, 0)),
        ],
        out_specs=pl.BlockSpec((K, _YBN, D), lambda r: (0, r, 0)),
        out_shape=jax.ShapeDtypeStruct((K, N, D), jnp.float32),
    )(x, edge_emb)


def _gidx_body(src_ref, attr_ref, o_ref):
    o_ref[...] = attr_ref[...] * N + src_ref[...]


def _build_gidx(src2, attr2):
    r, c = src2.shape
    return pl.pallas_call(
        _gidx_body,
        out_shape=jax.ShapeDtypeStruct((r, c), jnp.int32),
    )(src2, attr2)



def _sc_body(y_hbm, gidx_hbm, dst_hbm, out_hbm,
             gidx_v, dst_v, rows_a, rows_b, accum):
    cid = lax.axis_index("c")
    tid = lax.axis_index("s")
    wid = cid * NS + tid

    @pl.loop(0, C)
    def _zfill(r):
        for cc in range(D // 16):
            rows_a[r, pl.ds(cc * 16, 16)] = jnp.zeros((16,), jnp.float32)

    for q in range(STRIPE // C):
        pltpu.sync_copy(rows_a, accum.at[pl.ds(tid * STRIPE + q * C, C)])

    plsc.subcore_barrier()

    @pl.loop(0, NGROUP)
    def _group(g):
        pltpu.sync_copy(gidx_hbm.at[wid, pl.ds(g * GB, GB)], gidx_v)
        pltpu.sync_copy(dst_hbm.at[wid, pl.ds(g * GB, GB)], dst_v)

        @pl.loop(0, GB)
        def _chunk(j):
            pltpu.sync_copy(y_hbm.at[gidx_v.at[j]], rows_a)
            pltpu.sync_copy(rows_a, accum.at[dst_v.at[j]], add=True)

    plsc.subcore_barrier()

    pltpu.sync_copy(
        accum.at[pl.ds(tid * STRIPE, STRIPE)],
        out_hbm.at[cid, pl.ds(tid * STRIPE, STRIPE)],
    )


def _sc_segment(y2, gidx_r, dst_r):
    mesh = plsc.VectorSubcoreMesh(core_axis_name="c", subcore_axis_name="s")
    kern = pl.kernel(
        _sc_body,
        out_type=jax.ShapeDtypeStruct((NC, NP, D), jnp.float32),
        mesh=mesh,
        scratch_types=[
            pltpu.VMEM((GB, C), jnp.int32),
            pltpu.VMEM((GB, C), jnp.int32),
            pltpu.VMEM((C, D), jnp.float32),
            pltpu.VMEM((C, D), jnp.float32),
            pltpu.VMEM_SHARED((NP, D), jnp.float32),
        ],
    )
    return kern(y2, gidx_r, dst_r)



_MBN = 1000

_DOT = functools.partial(
    lax.dot_general,
    dimension_numbers=(((1,), (0,)), ((), ())),
    precision=lax.Precision.HIGHEST,
    preferred_element_type=jnp.float32,
)


def _mlp_body(eps_ref, x_ref, p_ref, w1_ref, b1_ref, g_ref, bt_ref, w2_ref,
              b2_ref, o_ref):
    h = (1.0 + eps_ref[0, 0]) * x_ref[...] + p_ref[0] + p_ref[1]
    h = _DOT(h, w1_ref[...]) + b1_ref[...]
    mu = jnp.mean(h, axis=-1, keepdims=True)
    var = jnp.mean((h - mu) * (h - mu), axis=-1, keepdims=True)
    h = (h - mu) / jnp.sqrt(var + 1e-5) * g_ref[...] + bt_ref[...]
    h = jnp.maximum(h, 0.0)
    o_ref[...] = _DOT(h, w2_ref[...]) + b2_ref[...]


def _mlp(x, partials, eps, W1, b1, gamma, beta, W2, b2):
    vec = pl.BlockSpec((1, D), lambda r: (0, 0))
    return pl.pallas_call(
        _mlp_body,
        grid=(N // _MBN,),
        in_specs=[
            pl.BlockSpec((1, 1), lambda r: (0, 0)),
            pl.BlockSpec((_MBN, D), lambda r: (r, 0)),
            pl.BlockSpec((NC, _MBN, D), lambda r: (0, r, 0)),
            pl.BlockSpec((D, D), lambda r: (0, 0)),
            vec, vec, vec,
            pl.BlockSpec((D, D), lambda r: (0, 0)),
            vec,
        ],
        out_specs=pl.BlockSpec((_MBN, D), lambda r: (r, 0)),
        out_shape=jax.ShapeDtypeStruct((N, D), jnp.float32),
    )(eps.reshape(1, 1), x, partials, W1, b1.reshape(1, D), gamma.reshape(1, D),
      beta.reshape(1, D), W2, b2.reshape(1, D))




def kernel(x, edge_index, edge_attr, edge_emb, eps, W1, b1, gamma, beta, W2, b2):
    src = edge_index[0].astype(jnp.int32)
    dst = edge_index[1].astype(jnp.int32)
    attr = edge_attr.astype(jnp.int32)

    gidx = _build_gidx(src.reshape(E // D, D), attr.reshape(E // D, D))
    gidx_r = jnp.concatenate(
        [gidx.reshape(E), jnp.zeros((EP - E,), jnp.int32)]).reshape(NW, NCHUNK, C)
    dst_r = jnp.concatenate(
        [dst, jnp.full((EP - E,), TRASH, jnp.int32)]).reshape(NW, NCHUNK, C)

    y = _build_y(x, edge_emb).reshape(K * N, D)
    partials = _sc_segment(y, gidx_r, dst_r)
    return _mlp(x, partials, eps, W1, b1, gamma, beta, W2, b2)

# --- scband reference (transcript-rebuilt; emitter-appended) ---
"""Pipeline reference for scband-custom-gine-5970004542027 (READ-ONLY COPY).

The authoritative reference and input builder live on the scoring server;
editing this copy changes nothing except your own understanding.
"""

import jax, jax.numpy as jnp
import numpy as np

N = 10000
E = 320000
D = 128   # in_dim
H = 128   # emb_dim
K = 4     # num_edge_emb


def setup_inputs(seed: int = 0) -> dict:
    key = jax.random.key(seed)
    ks = jax.random.split(key, 8)
    x = jax.random.normal(ks[0], (N, D), dtype=jnp.float32)
    edge_index = jax.random.randint(ks[1], (2, E), 0, N)
    edge_attr = jax.random.randint(ks[2], (E,), 0, K)
    # learned parameters
    edge_emb = jax.random.normal(ks[3], (K, D), dtype=jnp.float32) * 0.1
    eps = jnp.zeros((), dtype=jnp.float32)  # train_eps=True, init 0.0
    W1 = jax.random.normal(ks[4], (D, H), dtype=jnp.float32) * (1.0 / np.sqrt(D))
    b1 = jnp.zeros((H,), dtype=jnp.float32)
    gamma = jnp.ones((H,), dtype=jnp.float32)
    beta = jnp.zeros((H,), dtype=jnp.float32)
    W2 = jax.random.normal(ks[5], (H, H), dtype=jnp.float32) * (1.0 / np.sqrt(H))
    b2 = jnp.zeros((H,), dtype=jnp.float32)
    return {"x": x, "edge_index": edge_index, "edge_attr": edge_attr,
            "edge_emb": edge_emb, "eps": eps, "W1": W1, "b1": b1,
            "gamma": gamma, "beta": beta, "W2": W2, "b2": b2}


def reference(x, edge_index, edge_attr, edge_emb, eps, W1, b1, gamma, beta, W2, b2):
    # edge embedding lookup: int edge_attr -> float edge features [E, D]
    e = jnp.take(edge_emb, edge_attr, axis=0)
    src = edge_index[0]
    dst = edge_index[1]
    # GINEConv message: ReLU(x_j + e_ij), gathered at source nodes
    msg = jax.nn.relu(jnp.take(x, src, axis=0) + e)
    # sum aggregation at destination nodes (scatter-add)
    aggr = jax.ops.segment_sum(msg, dst, num_segments=N)
    # (1 + eps) * x_i + aggr, then MLP: Linear -> LayerNorm -> ReLU -> Linear
    h = (1.0 + eps) * x + aggr
    h = h @ W1 + b1
    mu = jnp.mean(h, axis=-1, keepdims=True)
    var = jnp.var(h, axis=-1, keepdims=True)
    h = (h - mu) / jnp.sqrt(var + 1e-5) * gamma + beta
    h = jax.nn.relu(h)
    out = h @ W2 + b2
    return out

if __name__ == "__main__":
    import jax
    _d = setup_inputs()
    print(jax.jit(kernel)(*tuple(_d.values())))

</pallas_src>

<mosaic_0001>
#map = affine_map<(d0, d1) -> (0, 0)>
#map1 = affine_map<(d0, d1) -> (0, 0, 0)>
module attributes {stable_mosaic.version = 14 : i64} {
  func.func @_sc_body(%arg0: i32, %arg1: i32, %arg2: memref<40000x128xf32, #tpu.memory_space<hbm>>, %arg3: memref<32x128x80xi32, #tpu.memory_space<hbm>>, %arg4: memref<32x128x80xi32, #tpu.memory_space<hbm>>, %arg5: memref<2x10240x128xf32, #tpu.memory_space<hbm>>, %arg6: memref<16x80xi32, #tpu.memory_space<vmem>>, %arg7: memref<16x80xi32, #tpu.memory_space<vmem>>, %arg8: memref<80x128xf32, #tpu.memory_space<vmem>>, %arg9: memref<80x128xf32, #tpu.memory_space<vmem>>, %arg10: memref<10240x128xf32, #tpu.memory_space<vmem_shared>>) attributes {dimension_semantics = [#tpu.dimension_semantics<core_parallel>, #tpu.dimension_semantics<subcore_parallel>], iteration_bounds = array<i64: 2, 16>, scalar_prefetch = 0 : i64, scratch_operands = 5 : i64, tpu.core_type = #tpu.core_type<sc_vector_subcore>, window_params = [{transform_indices = #map}, {transform_indices = #map1}, {transform_indices = #map1}, {transform_indices = #map1}]} {
    %mul3A = arith.constant 16 : i32
    %mul3A_0 = arith.muli %arg0, %mul3A : i32
    %add3A = arith.addi %mul3A_0, %arg1 : i32
    %scan3A = arith.constant 0 : i32
    %scan3A_1 = arith.constant 80 : i32
    %scan3A_2 = arith.addi %scan3A, %scan3A_1 : i32
    %scan3A_3 = arith.constant 1 : i32
    scf.for %scan3A_47 = %scan3A to %scan3A_2 step %scan3A_3  : i32 {
      %mul3A_48 = arith.constant 1 : i32
      %mul3A_49 = arith.muli %scan3A_47, %mul3A_48 : i32
      %add3A_50 = arith.constant 0 : i32
      %add3A_51 = arith.addi %add3A_50, %mul3A_49 : i32
      %broadcast_in_dim3A = arith.constant 0.000000e+00 : f32
      %broadcast_in_dim3A_52 = vector.broadcast %broadcast_in_dim3A : f32 to vector<16xf32>
      %swap3A = arith.index_cast %add3A_51 : i32 to index
      %swap3A_53 = arith.constant 0 : index
      %swap3A_54 = tpu.vector_load %arg8[%swap3A, %swap3A_53] {strides = array<i32>} : memref<80x128xf32, #tpu.memory_space<vmem>>, vector<1x16xf32>,
      %swap3A_55 = vector.shape_cast %swap3A_54 : vector<1x16xf32> to vector<16xf32>
      %swap3A_56 = vector.shape_cast %broadcast_in_dim3A_52 : vector<16xf32> to vector<1x16xf32>
      tpu.vector_store %arg8[%swap3A, %swap3A_53], %swap3A_56 {strides = array<i32>} : memref<80x128xf32, #tpu.memory_space<vmem>>, vector<1x16xf32>,
      %broadcast_in_dim3A_57 = arith.constant 0.000000e+00 : f32
      %broadcast_in_dim3A_58 = vector.broadcast %broadcast_in_dim3A_57 : f32 to vector<16xf32>
      %swap3A_59 = arith.index_cast %add3A_51 : i32 to index
      %swap3A_60 = arith.constant 16 : index
      %swap3A_61 = tpu.vector_load %arg8[%swap3A_59, %swap3A_60] {strides = array<i32>} : memref<80x128xf32, #tpu.memory_space<vmem>>, vector<1x16xf32>,
      %swap3A_62 = vector.shape_cast %swap3A_61 : vector<1x16xf32> to vector<16xf32>
      %swap3A_63 = vector.shape_cast %broadcast_in_dim3A_58 : vector<16xf32> to vector<1x16xf32>
      tpu.vector_store %arg8[%swap3A_59, %swap3A_60], %swap3A_63 {strides = array<i32>} : memref<80x128xf32, #tpu.memory_space<vmem>>, vector<1x16xf32>,
      %broadcast_in_dim3A_64 = arith.constant 0.000000e+00 : f32
      %broadcast_in_dim3A_65 = vector.broadcast %broadcast_in_dim3A_64 : f32 to vector<16xf32>
      %swap3A_66 = arith.index_cast %add3A_51 : i32 to index
      %swap3A_67 = arith.constant 32 : index
      %swap3A_68 = tpu.vector_load %arg8[%swap3A_66, %swap3A_67] {strides = array<i32>} : memref<80x128xf32, #tpu.memory_space<vmem>>, vector<1x16xf32>,
      %swap3A_69 = vector.shape_cast %swap3A_68 : vector<1x16xf32> to vector<16xf32>
      %swap3A_70 = vector.shape_cast %broadcast_in_dim3A_65 : vector<16xf32> to vector<1x16xf32>
      tpu.vector_store %arg8[%swap3A_66, %swap3A_67], %swap3A_70 {strides = array<i32>} : memref<80x128xf32, #tpu.memory_space<vmem>>, vector<1x16xf32>,
      %broadcast_in_dim3A_71 = arith.constant 0.000000e+00 : f32
      %broadcast_in_dim3A_72 = vector.broadcast %broadcast_in_dim3A_71 : f32 to vector<16xf32>
      %swap3A_73 = arith.index_cast %add3A_51 : i32 to index
      %swap3A_74 = arith.constant 48 : index
      %swap3A_75 = tpu.vector_load %arg8[%swap3A_73, %swap3A_74] {strides = array<i32>} : memref<80x128xf32, #tpu.memory_space<vmem>>, vector<1x16xf32>,
      %swap3A_76 = vector.shape_cast %swap3A_75 : vector<1x16xf32> to vector<16xf32>
      %swap3A_77 = vector.shape_cast %broadcast_in_dim3A_72 : vector<16xf32> to vector<1x16xf32>
      tpu.vector_store %arg8[%swap3A_73, %swap3A_74], %swap3A_77 {strides = array<i32>} : memref<80x128xf32, #tpu.memory_space<vmem>>, vector<1x16xf32>,
      %broadcast_in_dim3A_78 = arith.constant 0.000000e+00 : f32
      %broadcast_in_dim3A_79 = vector.broadcast %broadcast_in_dim3A_78 : f32 to vector<16xf32>
      %swap3A_80 = arith.index_cast %add3A_51 : i32 to index
      %swap3A_81 = arith.constant 64 : index
      %swap3A_82 = tpu.vector_load %arg8[%swap3A_80, %swap3A_81] {strides = array<i32>} : memref<80x128xf32, #tpu.memory_space<vmem>>, vector<1x16xf32>,
      %swap3A_83 = vector.shape_cast %swap3A_82 : vector<1x16xf32> to vector<16xf32>
      %swap3A_84 = vector.shape_cast %broadcast_in_dim3A_79 : vector<16xf32> to vector<1x16xf32>
      tpu.vector_store %arg8[%swap3A_80, %swap3A_81], %swap3A_84 {strides = array<i32>} : memref<80x128xf32, #tpu.memory_space<vmem>>, vector<1x16xf32>,
      %broadcast_in_dim3A_85 = arith.constant 0.000000e+00 : f32
      %broadcast_in_dim3A_86 = vector.broadcast %broadcast_in_dim3A_85 : f32 to vector<16xf32>
      %swap3A_87 = arith.index_cast %add3A_51 : i32 to index
      %swap3A_88 = arith.constant 80 : index
      %swap3A_89 = tpu.vector_load %arg8[%swap3A_87, %swap3A_88] {strides = array<i32>} : memref<80x128xf32, #tpu.memory_space<vmem>>, vector<1x16xf32>,
      %swap3A_90 = vector.shape_cast %swap3A_89 : vector<1x16xf32> to vector<16xf32>
      %swap3A_91 = vector.shape_cast %broadcast_in_dim3A_86 : vector<16xf32> to vector<1x16xf32>
      tpu.vector_store %arg8[%swap3A_87, %swap3A_88], %swap3A_91 {strides = array<i32>} : memref<80x128xf32, #tpu.memory_space<vmem>>, vector<1x16xf32>,
      %broadcast_in_dim3A_92 = arith.constant 0.000000e+00 : f32
      %broadcast_in_dim3A_93 = vector.broadcast %broadcast_in_dim3A_92 : f32 to vector<16xf32>
      %swap3A_94 = arith.index_cast %add3A_51 : i32 to index
      %swap3A_95 = arith.constant 96 : index
      %swap3A_96 = tpu.vector_load %arg8[%swap3A_94, %swap3A_95] {strides = array<i32>} : memref<80x128xf32, #tpu.memory_space<vmem>>, vector<1x16xf32>,
      %swap3A_97 = vector.shape_cast %swap3A_96 : vector<1x16xf32> to vector<16xf32>
      %swap3A_98 = vector.shape_cast %broadcast_in_dim3A_93 : vector<16xf32> to vector<1x16xf32>
      tpu.vector_store %arg8[%swap3A_94, %swap3A_95], %swap3A_98 {strides = array<i32>} : memref<80x128xf32, #tpu.memory_space<vmem>>, vector<1x16xf32>,
      %broadcast_in_dim3A_99 = arith.constant 0.000000e+00 : f32
      %broadcast_in_dim3A_100 = vector.broadcast %broadcast_in_dim3A_99 : f32 to vector<16xf32>
      %swap3A_101 = arith.index_cast %add3A_51 : i32 to index
      %swap3A_102 = arith.constant 112 : index
      %swap3A_103 = tpu.vector_load %arg8[%swap3A_101, %swap3A_102] {strides = array<i32>} : memref<80x128xf32, #tpu.memory_space<vmem>>, vector<1x16xf32>,
      %swap3A_104 = vector.shape_cast %swap3A_103 : vector<1x16xf32> to vector<16xf32>
      %swap3A_105 = vector.shape_cast %broadcast_in_dim3A_100 : vector<16xf32> to vector<1x16xf32>
      tpu.vector_store %arg8[%swap3A_101, %swap3A_102], %swap3A_105 {strides = array<i32>} : memref<80x128xf32, #tpu.memory_space<vmem>>, vector<1x16xf32>,
    }
    %scan3A_4 = arith.constant 80 : i32
    %mul3A_5 = arith.constant 640 : i32
    %mul3A_6 = arith.muli %arg1, %mul3A_5 : i32
    %add3A_7 = arith.constant 0 : i32
    %add3A_8 = arith.addi %mul3A_6, %add3A_7 : i32
    "tpu.region"() ({
      %run_scoped3A = tpu.sem_alloc : memref<!tpu.dma_semaphore, #tpu.memory_space<semaphore_mem>>
      %dma_start3A = arith.constant 0 : i32
      %dma_start3A_47 = tpu.memref_slice %arg10[%add3A_8, %dma_start3A] : memref<10240x128xf32, #tpu.memory_space<vmem_shared>> -> memref<80x128xf32, #tpu.memory_space<vmem_shared>>
      %dma_start3A_48 = arith.constant 0 : i32
      %dma_start3A_49 = tpu.memref_slice %arg10[%add3A_8, %dma_start3A_48] : memref<10240x128xf32, #tpu.memory_space<vmem_shared>> -> memref<80x128xf32, #tpu.memory_space<vmem_shared>>
      tpu.enqueue_dma source(%arg8 : memref<80x128xf32, #tpu.memory_space<vmem>>) target(%dma_start3A_49 : memref<80x128xf32, #tpu.memory_space<vmem_shared>>) target_semaphore(%run_scoped3A : memref<!tpu.dma_semaphore, #tpu.memory_space<semaphore_mem>>)
      %dma_wait3A = arith.constant 0 : i32
      %dma_wait3A_50 = tpu.memref_slice %arg10[%add3A_8, %dma_wait3A] : memref<10240x128xf32, #tpu.memory_space<vmem_shared>> -> memref<80x128xf32, #tpu.memory_space<vmem_shared>>
      %dma_wait3A_51 = arith.constant 0 : i32
      %dma_wait3A_52 = tpu.memref_slice %arg10[%add3A_8, %dma_wait3A_51] : memref<10240x128xf32, #tpu.memory_space<vmem_shared>> -> memref<80x128xf32, #tpu.memory_space<vmem_shared>>
      tpu.wait_dma2 semaphore(%run_scoped3A : memref<!tpu.dma_semaphore, #tpu.memory_space<semaphore_mem>>) src(%arg8 : memref<80x128xf32, #tpu.memory_space<vmem>>) dst(%dma_wait3A_52 : memref<80x128xf32, #tpu.memory_space<vmem_shared>>)
      tpu.yield
    }) : () -> ()
    %mul3A_9 = arith.constant 640 : i32
    %mul3A_10 = arith.muli %arg1, %mul3A_9 : i32
    %add3A_11 = arith.constant 80 : i32
    %add3A_12 = arith.addi %mul3A_10, %add3A_11 : i32
    "tpu.region"() ({
      %run_scoped3A = tpu.sem_alloc : memref<!tpu.dma_semaphore, #tpu.memory_space<semaphore_mem>>
      %dma_start3A = arith.constant 0 : i32
      %dma_start3A_47 = tpu.memref_slice %arg10[%add3A_12, %dma_start3A] : memref<10240x128xf32, #tpu.memory_space<vmem_shared>> -> memref<80x128xf32, #tpu.memory_space<vmem_shared>>
      %dma_start3A_48 = arith.constant 0 : i32
      %dma_start3A_49 = tpu.memref_slice %arg10[%add3A_12, %dma_start3A_48] : memref<10240x128xf32, #tpu.memory_space<vmem_shared>> -> memref<80x128xf32, #tpu.memory_space<vmem_shared>>
      tpu.enqueue_dma source(%arg8 : memref<80x128xf32, #tpu.memory_space<vmem>>) target(%dma_start3A_49 : memref<80x128xf32, #tpu.memory_space<vmem_shared>>) target_semaphore(%run_scoped3A : memref<!tpu.dma_semaphore, #tpu.memory_space<semaphore_mem>>)
      %dma_wait3A = arith.constant 0 : i32
      %dma_wait3A_50 = tpu.memref_slice %arg10[%add3A_12, %dma_wait3A] : memref<10240x128xf32, #tpu.memory_space<vmem_shared>> -> memref<80x128xf32, #tpu.memory_space<vmem_shared>>
      %dma_wait3A_51 = arith.constant 0 : i32
      %dma_wait3A_52 = tpu.memref_slice %arg10[%add3A_12, %dma_wait3A_51] : memref<10240x128xf32, #tpu.memory_space<vmem_shared>> -> memref<80x128xf32, #tpu.memory_space<vmem_shared>>
      tpu.wait_dma2 semaphore(%run_scoped3A : memref<!tpu.dma_semaphore, #tpu.memory_space<semaphore_mem>>) src(%arg8 : memref<80x128xf32, #tpu.memory_space<vmem>>) dst(%dma_wait3A_52 : memref<80x128xf32, #tpu.memory_space<vmem_shared>>)
      tpu.yield
    }) : () -> ()
    %mul3A_13 = arith.constant 640 : i32
    %mul3A_14 = arith.muli %arg1, %mul3A_13 : i32
    %add3A_15 = arith.constant 160 : i32
    %add3A_16 = arith.addi %mul3A_14, %add3A_15 : i32
    "tpu.region"() ({
      %run_scoped3A = tpu.sem_alloc : memref<!tpu.dma_semaphore, #tpu.memory_space<semaphore_mem>>
      %dma_start3A = arith.constant 0 : i32
      %dma_start3A_47 = tpu.memref_slice %arg10[%add3A_16, %dma_start3A] : memref<10240x128xf32, #tpu.memory_space<vmem_shared>> -> memref<80x128xf32, #tpu.memory_space<vmem_shared>>
      %dma_start3A_48 = arith.constant 0 : i32
      %dma_start3A_49 = tpu.memref_slice %arg10[%add3A_16, %dma_start3A_48] : memref<10240x128xf32, #tpu.memory_space<vmem_shared>> -> memref<80x128xf32, #tpu.memory_space<vmem_shared>>
      tpu.enqueue_dma source(%arg8 : memref<80x128xf32, #tpu.memory_space<vmem>>) target(%dma_start3A_49 : memref<80x128xf32, #tpu.memory_space<vmem_shared>>) target_semaphore(%run_scoped3A : memref<!tpu.dma_semaphore, #tpu.memory_space<semaphore_mem>>)
      %dma_wait3A = arith.constant 0 : i32
      %dma_wait3A_50 = tpu.memref_slice %arg10[%add3A_16, %dma_wait3A] : memref<10240x128xf32, #tpu.memory_space<vmem_shared>> -> memref<80x128xf32, #tpu.memory_space<vmem_shared>>
      %dma_wait3A_51 = arith.constant 0 : i32
      %dma_wait3A_52 = tpu.memref_slice %arg10[%add3A_16, %dma_wait3A_51] : memref<10240x128xf32, #tpu.memory_space<vmem_shared>> -> memref<80x128xf32, #tpu.memory_space<vmem_shared>>
      tpu.wait_dma2 semaphore(%run_scoped3A : memref<!tpu.dma_semaphore, #tpu.memory_space<semaphore_mem>>) src(%arg8 : memref<80x128xf32, #tpu.memory_space<vmem>>) dst(%dma_wait3A_52 : memref<80x128xf32, #tpu.memory_space<vmem_shared>>)
      tpu.yield
    }) : () -> ()
    %mul3A_17 = arith.constant 640 : i32
    %mul3A_18 = arith.muli %arg1, %mul3A_17 : i32
    %add3A_19 = arith.constant 240 : i32
    %add3A_20 = arith.addi %mul3A_18, %add3A_19 : i32
    "tpu.region"() ({
      %run_scoped3A = tpu.sem_alloc : memref<!tpu.dma_semaphore, #tpu.memory_space<semaphore_mem>>
      %dma_start3A = arith.constant 0 : i32
      %dma_start3A_47 = tpu.memref_slice %arg10[%add3A_20, %dma_start3A] : memref<10240x128xf32, #tpu.memory_space<vmem_shared>> -> memref<80x128xf32, #tpu.memory_space<vmem_shared>>
      %dma_start3A_48 = arith.constant 0 : i32
      %dma_start3A_49 = tpu.memref_slice %arg10[%add3A_20, %dma_start3A_48] : memref<10240x128xf32, #tpu.memory_space<vmem_shared>> -> memref<80x128xf32, #tpu.memory_space<vmem_shared>>
      tpu.enqueue_dma source(%arg8 : memref<80x128xf32, #tpu.memory_space<vmem>>) target(%dma_start3A_49 : memref<80x128xf32, #tpu.memory_space<vmem_shared>>) target_semaphore(%run_scoped3A : memref<!tpu.dma_semaphore, #tpu.memory_space<semaphore_mem>>)
      %dma_wait3A = arith.constant 0 : i32
      %dma_wait3A_50 = tpu.memref_slice %arg10[%add3A_20, %dma_wait3A] : memref<10240x128xf32, #tpu.memory_space<vmem_shared>> -> memref<80x128xf32, #tpu.memory_space<vmem_shared>>
      %dma_wait3A_51 = arith.constant 0 : i32
      %dma_wait3A_52 = tpu.memref_slice %arg10[%add3A_20, %dma_wait3A_51] : memref<10240x128xf32, #tpu.memory_space<vmem_shared>> -> memref<80x128xf32, #tpu.memory_space<vmem_shared>>
      tpu.wait_dma2 semaphore(%run_scoped3A : memref<!tpu.dma_semaphore, #tpu.memory_space<semaphore_mem>>) src(%arg8 : memref<80x128xf32, #tpu.memory_space<vmem>>) dst(%dma_wait3A_52 : memref<80x128xf32, #tpu.memory_space<vmem_shared>>)
      tpu.yield
    }) : () -> ()
    %mul3A_21 = arith.constant 640 : i32
    %mul3A_22 = arith.muli %arg1, %mul3A_21 : i32
    %add3A_23 = arith.constant 320 : i32
    %add3A_24 = arith.addi %mul3A_22, %add3A_23 : i32
    "tpu.region"() ({
      %run_scoped3A = tpu.sem_alloc : memref<!tpu.dma_semaphore, #tpu.memory_space<semaphore_mem>>
      %dma_start3A = arith.constant 0 : i32
      %dma_start3A_47 = tpu.memref_slice %arg10[%add3A_24, %dma_start3A] : memref<10240x128xf32, #tpu.memory_space<vmem_shared>> -> memref<80x128xf32, #tpu.memory_space<vmem_shared>>
      %dma_start3A_48 = arith.constant 0 : i32
      %dma_start3A_49 = tpu.memref_slice %arg10[%add3A_24, %dma_start3A_48] : memref<10240x128xf32, #tpu.memory_space<vmem_shared>> -> memref<80x128xf32, #tpu.memory_space<vmem_shared>>
      tpu.enqueue_dma source(%arg8 : memref<80x128xf32, #tpu.memory_space<vmem>>) target(%dma_start3A_49 : memref<80x128xf32, #tpu.memory_space<vmem_shared>>) target_semaphore(%run_scoped3A : memref<!tpu.dma_semaphore, #tpu.memory_space<semaphore_mem>>)
      %dma_wait3A = arith.constant 0 : i32
      %dma_wait3A_50 = tpu.memref_slice %arg10[%add3A_24, %dma_wait3A] : memref<10240x128xf32, #tpu.memory_space<vmem_shared>> -> memref<80x128xf32, #tpu.memory_space<vmem_shared>>
      %dma_wait3A_51 = arith.constant 0 : i32
      %dma_wait3A_52 = tpu.memref_slice %arg10[%add3A_24, %dma_wait3A_51] : memref<10240x128xf32, #tpu.memory_space<vmem_shared>> -> memref<80x128xf32, #tpu.memory_space<vmem_shared>>
      tpu.wait_dma2 semaphore(%run_scoped3A : memref<!tpu.dma_semaphore, #tpu.memory_space<semaphore_mem>>) src(%arg8 : memref<80x128xf32, #tpu.memory_space<vmem>>) dst(%dma_wait3A_52 : memref<80x128xf32, #tpu.memory_space<vmem_shared>>)
      tpu.yield
    }) : () -> ()
    %mul3A_25 = arith.constant 640 : i32
    %mul3A_26 = arith.muli %arg1, %mul3A_25 : i32
    %add3A_27 = arith.constant 400 : i32
    %add3A_28 = arith.addi %mul3A_26, %add3A_27 : i32
    "tpu.region"() ({
      %run_scoped3A = tpu.sem_alloc : memref<!tpu.dma_semaphore, #tpu.memory_space<semaphore_mem>>
      %dma_start3A = arith.constant 0 : i32
      %dma_start3A_47 = tpu.memref_slice %arg10[%add3A_28, %dma_start3A] : memref<10240x128xf32, #tpu.memory_space<vmem_shared>> -> memref<80x128xf32, #tpu.memory_space<vmem_shared>>
      %dma_start3A_48 = arith.constant 0 : i32
      %dma_start3A_49 = tpu.memref_slice %arg10[%add3A_28, %dma_start3A_48] : memref<10240x128xf32, #tpu.memory_space<vmem_shared>> -> memref<80x128xf32, #tpu.memory_space<vmem_shared>>
      tpu.enqueue_dma source(%arg8 : memref<80x128xf32, #tpu.memory_space<vmem>>) target(%dma_start3A_49 : memref<80x128xf32, #tpu.memory_space<vmem_shared>>) target_semaphore(%run_scoped3A : memref<!tpu.dma_semaphore, #tpu.memory_space<semaphore_mem>>)
      %dma_wait3A = arith.constant 0 : i32
      %dma_wait3A_50 = tpu.memref_slice %arg10[%add3A_28, %dma_wait3A] : memref<10240x128xf32, #tpu.memory_space<vmem_shared>> -> memref<80x128xf32, #tpu.memory_space<vmem_shared>>
      %dma_wait3A_51 = arith.constant 0 : i32
      %dma_wait3A_52 = tpu.memref_slice %arg10[%add3A_28, %dma_wait3A_51] : memref<10240x128xf32, #tpu.memory_space<vmem_shared>> -> memref<80x128xf32, #tpu.memory_space<vmem_shared>>
      tpu.wait_dma2 semaphore(%run_scoped3A : memref<!tpu.dma_semaphore, #tpu.memory_space<semaphore_mem>>) src(%arg8 : memref<80x128xf32, #tpu.memory_space<vmem>>) dst(%dma_wait3A_52 : memref<80x128xf32, #tpu.memory_space<vmem_shared>>)
      tpu.yield
    }) : () -> ()
    %mul3A_29 = arith.constant 640 : i32
    %mul3A_30 = arith.muli %arg1, %mul3A_29 : i32
    %add3A_31 = arith.constant 480 : i32
    %add3A_32 = arith.addi %mul3A_30, %add3A_31 : i32
    "tpu.region"() ({
      %run_scoped3A = tpu.sem_alloc : memref<!tpu.dma_semaphore, #tpu.memory_space<semaphore_mem>>
      %dma_start3A = arith.constant 0 : i32
      %dma_start3A_47 = tpu.memref_slice %arg10[%add3A_32, %dma_start3A] : memref<10240x128xf32, #tpu.memory_space<vmem_shared>> -> memref<80x128xf32, #tpu.memory_space<vmem_shared>>
      %dma_start3A_48 = arith.constant 0 : i32
      %dma_start3A_49 = tpu.memref_slice %arg10[%add3A_32, %dma_start3A_48] : memref<10240x128xf32, #tpu.memory_space<vmem_shared>> -> memref<80x128xf32, #tpu.memory_space<vmem_shared>>
      tpu.enqueue_dma source(%arg8 : memref<80x128xf32, #tpu.memory_space<vmem>>) target(%dma_start3A_49 : memref<80x128xf32, #tpu.memory_space<vmem_shared>>) target_semaphore(%run_scoped3A : memref<!tpu.dma_semaphore, #tpu.memory_space<semaphore_mem>>)
      %dma_wait3A = arith.constant 0 : i32
      %dma_wait3A_50 = tpu.memref_slice %arg10[%add3A_32, %dma_wait3A] : memref<10240x128xf32, #tpu.memory_space<vmem_shared>> -> memref<80x128xf32, #tpu.memory_space<vmem_shared>>
      %dma_wait3A_51 = arith.constant 0 : i32
      %dma_wait3A_52 = tpu.memref_slice %arg10[%add3A_32, %dma_wait3A_51] : memref<10240x128xf32, #tpu.memory_space<vmem_shared>> -> memref<80x128xf32, #tpu.memory_space<vmem_shared>>
      tpu.wait_dma2 semaphore(%run_scoped3A : memref<!tpu.dma_semaphore, #tpu.memory_space<semaphore_mem>>) src(%arg8 : memref<80x128xf32, #tpu.memory_space<vmem>>) dst(%dma_wait3A_52 : memref<80x128xf32, #tpu.memory_space<vmem_shared>>)
      tpu.yield
    }) : () -> ()
    %mul3A_33 = arith.constant 640 : i32
    %mul3A_34 = arith.muli %arg1, %mul3A_33 : i32
    %add3A_35 = arith.constant 560 : i32
    %add3A_36 = arith.addi %mul3A_34, %add3A_35 : i32
    "tpu.region"() ({
      %run_scoped3A = tpu.sem_alloc : memref<!tpu.dma_semaphore, #tpu.memory_space<semaphore_mem>>
      %dma_start3A = arith.constant 0 : i32
      %dma_start3A_47 = tpu.memref_slice %arg10[%add3A_36, %dma_start3A] : memref<10240x128xf32, #tpu.memory_space<vmem_shared>> -> memref<80x128xf32, #tpu.memory_space<vmem_shared>>
      %dma_start3A_48 = arith.constant 0 : i32
      %dma_start3A_49 = tpu.memref_slice %arg10[%add3A_36, %dma_start3A_48] : memref<10240x128xf32, #tpu.memory_space<vmem_shared>> -> memref<80x128xf32, #tpu.memory_space<vmem_shared>>
      tpu.enqueue_dma source(%arg8 : memref<80x128xf32, #tpu.memory_space<vmem>>) target(%dma_start3A_49 : memref<80x128xf32, #tpu.memory_space<vmem_shared>>) target_semaphore(%run_scoped3A : memref<!tpu.dma_semaphore, #tpu.memory_space<semaphore_mem>>)
      %dma_wait3A = arith.constant 0 : i32
      %dma_wait3A_50 = tpu.memref_slice %arg10[%add3A_36, %dma_wait3A] : memref<10240x128xf32, #tpu.memory_space<vmem_shared>> -> memref<80x128xf32, #tpu.memory_space<vmem_shared>>
      %dma_wait3A_51 = arith.constant 0 : i32
      %dma_wait3A_52 = tpu.memref_slice %arg10[%add3A_36, %dma_wait3A_51] : memref<10240x128xf32, #tpu.memory_space<vmem_shared>> -> memref<80x128xf32, #tpu.memory_space<vmem_shared>>
      tpu.wait_dma2 semaphore(%run_scoped3A : memref<!tpu.dma_semaphore, #tpu.memory_space<semaphore_mem>>) src(%arg8 : memref<80x128xf32, #tpu.memory_space<vmem>>) dst(%dma_wait3A_52 : memref<80x128xf32, #tpu.memory_space<vmem_shared>>)
      tpu.yield
    }) : () -> ()
    %barrier3A = arith.constant 0 : index
    tpu.barrier barrier_id(%barrier3A)
    %scan3A_37 = arith.constant 0 : i32
    %scan3A_38 = arith.constant 8 : i32
    %scan3A_39 = arith.addi %scan3A_37, %scan3A_38 : i32
    %scan3A_40 = arith.constant 1 : i32
    scf.for %scan3A_47 = %scan3A_37 to %scan3A_39 step %scan3A_40  : i32 {
      %mul3A_48 = arith.constant 1 : i32
      %mul3A_49 = arith.muli %scan3A_47, %mul3A_48 : i32
      %add3A_50 = arith.constant 0 : i32
      %add3A_51 = arith.addi %add3A_50, %mul3A_49 : i32
      %mul3A_52 = arith.constant 16 : i32
      %mul3A_53 = arith.muli %add3A_51, %mul3A_52 : i32
      "tpu.region"() ({
        %run_scoped3A = tpu.sem_alloc : memref<!tpu.dma_semaphore, #tpu.memory_space<semaphore_mem>>
        %dma_start3A = arith.constant 0 : i32
        %dma_start3A_61 = tpu.memref_slice %arg3[%add3A, %mul3A_53, %dma_start3A] : memref<32x128x80xi32, #tpu.memory_space<hbm>> -> memref<1x16x80xi32, #tpu.memory_space<hbm>>
        %dma_start3A_62 = tpu.memref_squeeze %dma_start3A_61 : memref<1x16x80xi32, #tpu.memory_space<hbm>> -> memref<16x80xi32, #tpu.memory_space<hbm>>
        %dma_start3A_63 = arith.constant 0 : i32
        %dma_start3A_64 = tpu.memref_slice %arg3[%add3A, %mul3A_53, %dma_start3A_63] : memref<32x128x80xi32, #tpu.memory_space<hbm>> -> memref<1x16x80xi32, #tpu.memory_space<hbm>>
        %dma_start3A_65 = tpu.memref_squeeze %dma_start3A_64 : memref<1x16x80xi32, #tpu.memory_space<hbm>> -> memref<16x80xi32, #tpu.memory_space<hbm>>
        tpu.enqueue_dma source(%dma_start3A_65 : memref<16x80xi32, #tpu.memory_space<hbm>>) target(%arg6 : memref<16x80xi32, #tpu.memory_space<vmem>>) target_semaphore(%run_scoped3A : memref<!tpu.dma_semaphore, #tpu.memory_space<semaphore_mem>>)
        %dma_wait3A = arith.constant 0 : i32
        %dma_wait3A_66 = tpu.memref_slice %arg3[%add3A, %mul3A_53, %dma_wait3A] : memref<32x128x80xi32, #tpu.memory_space<hbm>> -> memref<1x16x80xi32, #tpu.memory_space<hbm>>
        %dma_wait3A_67 = tpu.memref_squeeze %dma_wait3A_66 : memref<1x16x80xi32, #tpu.memory_space<hbm>> -> memref<16x80xi32, #tpu.memory_space<hbm>>
        %dma_wait3A_68 = arith.constant 0 : i32
        %dma_wait3A_69 = tpu.memref_slice %arg3[%add3A, %mul3A_53, %dma_wait3A_68] : memref<32x128x80xi32, #tpu.memory_space<hbm>> -> memref<1x16x80xi32, #tpu.memory_space<hbm>>
        %dma_wait3A_70 = tpu.memref_squeeze %dma_wait3A_69 : memref<1x16x80xi32, #tpu.memory_space<hbm>> -> memref<16x80xi32, #tpu.memory_space<hbm>>
        tpu.wait_dma2 semaphore(%run_scoped3A : memref<!tpu.dma_semaphore, #tpu.memory_space<semaphore_mem>>) src(%dma_wait3A_70 : memref<16x80xi32, #tpu.memory_space<hbm>>) dst(%arg6 : memref<16x80xi32, #tpu.memory_space<vmem>>)
        tpu.yield
      }) : () -> ()
      %mul3A_54 = arith.constant 16 : i32
      %mul3A_55 = arith.muli %add3A_51, %mul3A_54 : i32
      "tpu.region"() ({
        %run_scoped3A = tpu.sem_alloc : memref<!tpu.dma_semaphore, #tpu.memory_space<semaphore_mem>>
        %dma_start3A = arith.constant 0 : i32
        %dma_start3A_61 = tpu.memref_slice %arg4[%add3A, %mul3A_55, %dma_start3A] : memref<32x128x80xi32, #tpu.memory_space<hbm>> -> memref<1x16x80xi32, #tpu.memory_space<hbm>>
        %dma_start3A_62 = tpu.memref_squeeze %dma_start3A_61 : memref<1x16x80xi32, #tpu.memory_space<hbm>> -> memref<16x80xi32, #tpu.memory_space<hbm>>
        %dma_start3A_63 = arith.constant 0 : i32
        %dma_start3A_64 = tpu.memref_slice %arg4[%add3A, %mul3A_55, %dma_start3A_63] : memref<32x128x80xi32, #tpu.memory_space<hbm>> -> memref<1x16x80xi32, #tpu.memory_space<hbm>>
        %dma_start3A_65 = tpu.memref_squeeze %dma_start3A_64 : memref<1x16x80xi32, #tpu.memory_space<hbm>> -> memref<16x80xi32, #tpu.memory_space<hbm>>
        tpu.enqueue_dma source(%dma_start3A_65 : memref<16x80xi32, #tpu.memory_space<hbm>>) target(%arg7 : memref<16x80xi32, #tpu.memory_space<vmem>>) target_semaphore(%run_scoped3A : memref<!tpu.dma_semaphore, #tpu.memory_space<semaphore_mem>>)
        %dma_wait3A = arith.constant 0 : i32
        %dma_wait3A_66 = tpu.memref_slice %arg4[%add3A, %mul3A_55, %dma_wait3A] : memref<32x128x80xi32, #tpu.memory_space<hbm>> -> memref<1x16x80xi32, #tpu.memory_space<hbm>>
        %dma_wait3A_67 = tpu.memref_squeeze %dma_wait3A_66 : memref<1x16x80xi32, #tpu.memory_space<hbm>> -> memref<16x80xi32, #tpu.memory_space<hbm>>
        %dma_wait3A_68 = arith.constant 0 : i32
        %dma_wait3A_69 = tpu.memref_slice %arg4[%add3A, %mul3A_55, %dma_wait3A_68] : memref<32x128x80xi32, #tpu.memory_space<hbm>> -> memref<1x16x80xi32, #tpu.memory_space<hbm>>
        %dma_wait3A_70 = tpu.memref_squeeze %dma_wait3A_69 : memref<1x16x80xi32, #tpu.memory_space<hbm>> -> memref<16x80xi32, #tpu.memory_space<hbm>>
        tpu.wait_dma2 semaphore(%run_scoped3A : memref<!tpu.dma_semaphore, #tpu.memory_space<semaphore_mem>>) src(%dma_wait3A_70 : memref<16x80xi32, #tpu.memory_space<hbm>>) dst(%arg7 : memref<16x80xi32, #tpu.memory_space<vmem>>)
        tpu.yield
      }) : () -> ()
      %scan3A_56 = arith.constant 0 : i32
      %scan3A_57 = arith.constant 16 : i32
      %scan3A_58 = arith.addi %scan3A_56, %scan3A_57 : i32
      %scan3A_59 = arith.constant 1 : i32
      scf.for %scan3A_61 = %scan3A_56 to %scan3A_58 step %scan3A_59  : i32 {
        %mul3A_62 = arith.constant 1 : i32
        %mul3A_63 = arith.muli %scan3A_61, %mul3A_62 : i32
        %add3A_64 = arith.constant 0 : i32
        %add3A_65 = arith.addi %add3A_64, %mul3A_63 : i32
        "tpu.region"() ({
          %run_scoped3A = tpu.sem_alloc : memref<!tpu.dma_semaphore, #tpu.memory_space<semaphore_mem>>
          %dma_start3A = arith.constant 0 : i32
          %dma_start3A_66 = tpu.memref_slice %arg6[%add3A_65, %dma_start3A] : memref<16x80xi32, #tpu.memory_space<vmem>> -> memref<1x80xi32, #tpu.memory_space<vmem>>
          %dma_start3A_67 = tpu.memref_squeeze %dma_start3A_66 : memref<1x80xi32, #tpu.memory_space<vmem>> -> memref<80xi32, #tpu.memory_space<vmem>>
          %dma_start3A_68 = arith.constant 0 : i32
          %dma_start3A_69 = arith.constant 0 : i32
          %dma_start3A_70 = tpu.memref_slice %arg2[%dma_start3A_68, %dma_start3A_69] : memref<40000x128xf32, #tpu.memory_space<hbm>> -> memref<40000x128xf32, #tpu.memory_space<hbm>>
          tpu.enqueue_indirect_dma source(%dma_start3A_70 : memref<40000x128xf32, #tpu.memory_space<hbm>>) target(%arg8 : memref<80x128xf32, #tpu.memory_space<vmem>>) offsets(%dma_start3A_67 : memref<80xi32, #tpu.memory_space<vmem>>) semaphore(%run_scoped3A : memref<!tpu.dma_semaphore, #tpu.memory_space<semaphore_mem>>)
          %dma_wait3A = arith.constant 0 : i32
          %dma_wait3A_71 = tpu.memref_slice %arg6[%add3A_65, %dma_wait3A] : memref<16x80xi32, #tpu.memory_space<vmem>> -> memref<1x80xi32, #tpu.memory_space<vmem>>
          %dma_wait3A_72 = tpu.memref_squeeze %dma_wait3A_71 : memref<1x80xi32, #tpu.memory_space<vmem>> -> memref<80xi32, #tpu.memory_space<vmem>>
          %dma_wait3A_73 = arith.constant 0 : i32
          %dma_wait3A_74 = arith.constant 0 : i32
          %dma_wait3A_75 = tpu.memref_slice %arg2[%dma_wait3A_73, %dma_wait3A_74] : memref<40000x128xf32, #tpu.memory_space<hbm>> -> memref<40000x128xf32, #tpu.memory_space<hbm>>
          tpu.wait_indirect_dma semaphore(%run_scoped3A : memref<!tpu.dma_semaphore, #tpu.memory_space<semaphore_mem>>) src(%dma_wait3A_75 : memref<40000x128xf32, #tpu.memory_space<hbm>>) dst(%arg8 : memref<80x128xf32, #tpu.memory_space<vmem>>)
          tpu.yield
        }) : () -> ()
        "tpu.region"() ({
          %run_scoped3A = tpu.sem_alloc : memref<!tpu.dma_semaphore, #tpu.memory_space<semaphore_mem>>
          %dma_start3A = arith.constant 0 : i32
          %dma_start3A_66 = tpu.memref_slice %arg7[%add3A_65, %dma_start3A] : memref<16x80xi32, #tpu.memory_space<vmem>> -> memref<1x80xi32, #tpu.memory_space<vmem>>
          %dma_start3A_67 = tpu.memref_squeeze %dma_start3A_66 : memref<1x80xi32, #tpu.memory_space<vmem>> -> memref<80xi32, #tpu.memory_space<vmem>>
          %dma_start3A_68 = arith.constant 0 : i32
          %dma_start3A_69 = arith.constant 0 : i32
          %dma_start3A_70 = tpu.memref_slice %arg10[%dma_start3A_68, %dma_start3A_69] : memref<10240x128xf32, #tpu.memory_space<vmem_shared>> -> memref<10240x128xf32, #tpu.memory_space<vmem_shared>>
          tpu.enqueue_indirect_dma source(%arg8 : memref<80x128xf32, #tpu.memory_space<vmem>>) target(%dma_start3A_70 : memref<10240x128xf32, #tpu.memory_space<vmem_shared>>) offsets(%dma_start3A_67 : memref<80xi32, #tpu.memory_space<vmem>>) semaphore(%run_scoped3A : memref<!tpu.dma_semaphore, #tpu.memory_space<semaphore_mem>>) {add = true}
          %dma_wait3A = arith.constant 0 : i32
          %dma_wait3A_71 = tpu.memref_slice %arg7[%add3A_65, %dma_wait3A] : memref<16x80xi32, #tpu.memory_space<vmem>> -> memref<1x80xi32, #tpu.memory_space<vmem>>
          %dma_wait3A_72 = tpu.memref_squeeze %dma_wait3A_71 : memref<1x80xi32, #tpu.memory_space<vmem>> -> memref<80xi32, #tpu.memory_space<vmem>>
          %dma_wait3A_73 = arith.constant 0 : i32
          %dma_wait3A_74 = arith.constant 0 : i32
          %dma_wait3A_75 = tpu.memref_slice %arg10[%dma_wait3A_73, %dma_wait3A_74] : memref<10240x128xf32, #tpu.memory_space<vmem_shared>> -> memref<10240x128xf32, #tpu.memory_space<vmem_shared>>
          tpu.wait_indirect_dma semaphore(%run_scoped3A : memref<!tpu.dma_semaphore, #tpu.memory_space<semaphore_mem>>) src(%arg8 : memref<80x128xf32, #tpu.memory_space<vmem>>) dst(%dma_wait3A_75 : memref<10240x128xf32, #tpu.memory_space<vmem_shared>>)
          tpu.yield
        }) : () -> ()
      }
      %scan3A_60 = arith.constant 16 : i32
    }
    %scan3A_41 = arith.constant 8 : i32
    %barrier3A_42 = arith.constant 0 : index
    tpu.barrier barrier_id(%barrier3A_42)
    %mul3A_43 = arith.constant 640 : i32
    %mul3A_44 = arith.muli %arg1, %mul3A_43 : i32
    %mul3A_45 = arith.constant 640 : i32
    %mul3A_46 = arith.muli %arg1, %mul3A_45 : i32
    "tpu.region"() ({
      %run_scoped3A = tpu.sem_alloc : memref<!tpu.dma_semaphore, #tpu.memory_space<semaphore_mem>>
      %dma_start3A = arith.constant 0 : i32
      %dma_start3A_47 = tpu.memref_slice %arg5[%arg0, %mul3A_46, %dma_start3A] : memref<2x10240x128xf32, #tpu.memory_space<hbm>> -> memref<1x640x128xf32, #tpu.memory_space<hbm>>
      %dma_start3A_48 = tpu.memref_squeeze %dma_start3A_47 : memref<1x640x128xf32, #tpu.memory_space<hbm>> -> memref<640x128xf32, #tpu.memory_space<hbm>>
      %dma_start3A_49 = arith.constant 0 : i32
      %dma_start3A_50 = tpu.memref_slice %arg10[%mul3A_44, %dma_start3A_49] : memref<10240x128xf32, #tpu.memory_space<vmem_shared>> -> memref<640x128xf32, #tpu.memory_space<vmem_shared>>
      tpu.enqueue_dma source(%dma_start3A_50 : memref<640x128xf32, #tpu.memory_space<vmem_shared>>) target(%dma_start3A_48 : memref<640x128xf32, #tpu.memory_space<hbm>>) target_semaphore(%run_scoped3A : memref<!tpu.dma_semaphore, #tpu.memory_space<semaphore_mem>>)
      %dma_wait3A = arith.constant 0 : i32
      %dma_wait3A_51 = tpu.memref_slice %arg5[%arg0, %mul3A_46, %dma_wait3A] : memref<2x10240x128xf32, #tpu.memory_space<hbm>> -> memref<1x640x128xf32, #tpu.memory_space<hbm>>
      %dma_wait3A_52 = tpu.memref_squeeze %dma_wait3A_51 : memref<1x640x128xf32, #tpu.memory_space<hbm>> -> memref<640x128xf32, #tpu.memory_space<hbm>>
      %dma_wait3A_53 = arith.constant 0 : i32
      %dma_wait3A_54 = tpu.memref_slice %arg10[%mul3A_44, %dma_wait3A_53] : memref<10240x128xf32, #tpu.memory_space<vmem_shared>> -> memref<640x128xf32, #tpu.memory_space<vmem_shared>>
      tpu.wait_dma2 semaphore(%run_scoped3A : memref<!tpu.dma_semaphore, #tpu.memory_space<semaphore_mem>>) src(%dma_wait3A_54 : memref<640x128xf32, #tpu.memory_space<vmem_shared>>) dst(%dma_wait3A_52 : memref<640x128xf32, #tpu.memory_space<hbm>>)
      tpu.yield
    }) : () -> ()
    return
  }
}

module attributes {stable_mosaic.version = 14 : i64} {
  func.func @_gidx_body(%arg0: memref<2500x128xi32, #tpu.memory_space<vmem>>, %arg1: memref<2500x128xi32, #tpu.memory_space<vmem>>, %arg2: memref<2500x128xi32, #tpu.memory_space<vmem>>) attributes {dimension_semantics = [], scalar_prefetch = 0 : i64, scratch_operands = 0 : i64, tpu.core_type = #tpu.core_type<tc>} {
    %get3A = arith.constant 0 : index
    %get3A_0 = arith.constant 0 : index
    %get3A_1 = vector.load %arg1[%get3A, %get3A_0] : memref<2500x128xi32, #tpu.memory_space<vmem>>, vector<2500x128xi32>
    %mul3A = arith.constant 10000 : i32
    %mul3A_2 = vector.broadcast %mul3A : i32 to vector<2500x128xi32>
    %mul3A_3 = arith.muli %get3A_1, %mul3A_2 : vector<2500x128xi32>
    %get3A_4 = arith.constant 0 : index
    %get3A_5 = arith.constant 0 : index
    %get3A_6 = vector.load %arg0[%get3A_4, %get3A_5] : memref<2500x128xi32, #tpu.memory_space<vmem>>, vector<2500x128xi32>
    %add3A = arith.addi %mul3A_3, %get3A_6 : vector<2500x128xi32>
    %swap3A = arith.constant 0 : index
    %swap3A_7 = arith.constant 0 : index
    %swap3A_8 = vector.load %arg2[%swap3A, %swap3A_7] : memref<2500x128xi32, #tpu.memory_space<vmem>>, vector<2500x128xi32>
    tpu.vector_store %arg2[%swap3A, %swap3A_7], %add3A {strides = array<i32>} : memref<2500x128xi32, #tpu.memory_space<vmem>>, vector<2500x128xi32>,
    return
  }
}

module attributes {stable_mosaic.version = 14 : i64} {
  func.func @_mlp_body(%arg0: i32, %arg1: memref<1x1xf32, #tpu.memory_space<vmem>>, %arg2: memref<1000x128xf32, #tpu.memory_space<vmem>>, %arg3: memref<2x1000x128xf32, #tpu.memory_space<vmem>>, %arg4: memref<128x128xf32, #tpu.memory_space<vmem>>, %arg5: memref<1x128xf32, #tpu.memory_space<vmem>>, %arg6: memref<1x128xf32, #tpu.memory_space<vmem>>, %arg7: memref<1x128xf32, #tpu.memory_space<vmem>>, %arg8: memref<128x128xf32, #tpu.memory_space<vmem>>, %arg9: memref<1x128xf32, #tpu.memory_space<vmem>>, %arg10: memref<1000x128xf32, #tpu.memory_space<vmem>>) attributes {dimension_semantics = [#tpu.dimension_semantics<arbitrary>], iteration_bounds = array<i64: 10>, scalar_prefetch = 0 : i64, scratch_operands = 0 : i64, tpu.core_type = #tpu.core_type<tc>, window_params = [{pipeline_mode = #tpu.pipeline_mode<synchronous>, transform_indices = @transform_0, window_bounds = array<i64: 1, 1>}, {transform_indices = @transform_1, window_bounds = array<i64: 1000, 128>}, {transform_indices = @transform_2, window_bounds = array<i64: 2, 1000, 128>}, {pipeline_mode = #tpu.pipeline_mode<synchronous>, transform_indices = @transform_3, window_bounds = array<i64: 128, 128>}, {pipeline_mode = #tpu.pipeline_mode<synchronous>, transform_indices = @transform_4, window_bounds = array<i64: 1, 128>}, {pipeline_mode = #tpu.pipeline_mode<synchronous>, transform_indices = @transform_5, window_bounds = array<i64: 1, 128>}, {pipeline_mode = #tpu.pipeline_mode<synchronous>, transform_indices = @transform_6, window_bounds = array<i64: 1, 128>}, {pipeline_mode = #tpu.pipeline_mode<synchronous>, transform_indices = @transform_7, window_bounds = array<i64: 128, 128>}, {pipeline_mode = #tpu.pipeline_mode<synchronous>, transform_indices = @transform_8, window_bounds = array<i64: 1, 128>}, {transform_indices = @transform_9, window_bounds = array<i64: 1000, 128>}]} {
    %get3A = arith.constant 0 : index
    %get3A_0 = arith.constant 0 : index
    %get3A_1 = vector.load %arg1[%get3A, %get3A_0] : memref<1x1xf32, #tpu.memory_space<vmem>>, vector<1x1xf32>
    %get3A_2 = vector.extract %get3A_1[0, 0] : f32 from vector<1x1xf32>
    %add3A = arith.constant 1.000000e+00 : f32
    %add3A_3 = arith.addf %add3A, %get3A_2 : f32
    %get3A_4 = arith.constant 0 : index
    %get3A_5 = arith.constant 0 : index
    %get3A_6 = vector.load %arg2[%get3A_4, %get3A_5] : memref<1000x128xf32, #tpu.memory_space<vmem>>, vector<1000x128xf32>
    %mul3A = vector.broadcast %add3A_3 : f32 to vector<1000x128xf32>
    %mul3A_7 = arith.mulf %mul3A, %get3A_6 : vector<1000x128xf32>
    %get3A_8 = arith.constant 0 : index
    %get3A_9 = arith.constant 0 : index
    %get3A_10 = arith.constant 0 : index
    %get3A_11 = vector.load %arg3[%get3A_8, %get3A_9, %get3A_10] : memref<2x1000x128xf32, #tpu.memory_space<vmem>>, vector<1x1000x128xf32>
    %get3A_12 = vector.shape_cast %get3A_11 : vector<1x1000x128xf32> to vector<1000x128xf32>
    %add3A_13 = arith.addf %mul3A_7, %get3A_12 : vector<1000x128xf32>
    %get3A_14 = arith.constant 1 : index
    %get3A_15 = arith.constant 0 : index
    %get3A_16 = arith.constant 0 : index
    %get3A_17 = vector.load %arg3[%get3A_14, %get3A_15, %get3A_16] : memref<2x1000x128xf32, #tpu.memory_space<vmem>>, vector<1x1000x128xf32>
    %get3A_18 = vector.shape_cast %get3A_17 : vector<1x1000x128xf32> to vector<1000x128xf32>
    %add3A_19 = arith.addf %add3A_13, %get3A_18 : vector<1000x128xf32>
    %get3A_20 = arith.constant 0 : index
    %get3A_21 = arith.constant 0 : index
    %get3A_22 = vector.load %arg4[%get3A_20, %get3A_21] : memref<128x128xf32, #tpu.memory_space<vmem>>, vector<128x128xf32>
    %dot_general3A = arith.constant dense<0.000000e+00> : vector<1000x128xf32>
    %dot_general3A_23 = tpu.matmul %add3A_19, %get3A_22, %dot_general3A {dimension_numbers = #tpu.dot_dimension_numbers<[1], [0], [0], [1], [0, 0, 1, 1], [], []>, precision = #tpu.contract_precision<fp32>, transpose_lhs_hint = false} : vector<1000x128xf32>, vector<128x128xf32>, vector<1000x128xf32> -> vector<1000x128xf32>
    %get3A_24 = arith.constant 0 : index
    %get3A_25 = arith.constant 0 : index
    %get3A_26 = vector.load %arg5[%get3A_24, %get3A_25] : memref<1x128xf32, #tpu.memory_space<vmem>>, vector<1x128xf32>
    %add3A_27 = vector.broadcast %get3A_26 : vector<1x128xf32> to vector<1000x128xf32>
    %add3A_28 = arith.addf %dot_general3A_23, %add3A_27 : vector<1000x128xf32>
    %reduce_sum3A = arith.constant dense<0.000000e+00> : vector<1000xf32>
    %reduce_sum3A_29 = vector.multi_reduction <add>, %add3A_28, %reduce_sum3A [1] : vector<1000x128xf32> to vector<1000xf32>
    %broadcast_in_dim3A = vector.shape_cast %reduce_sum3A_29 : vector<1000xf32> to vector<1000x1xf32>
    %div3A = arith.constant 1.280000e+02 : f32
    %div3A_30 = vector.broadcast %div3A : f32 to vector<1000x1xf32>
    %div3A_31 = arith.divf %broadcast_in_dim3A, %div3A_30 : vector<1000x1xf32>
    %sub3A = vector.broadcast %div3A_31 : vector<1000x1xf32> to vector<1000x128xf32>
    %sub3A_32 = arith.subf %add3A_28, %sub3A : vector<1000x128xf32>
    %sub3A_33 = vector.broadcast %div3A_31 : vector<1000x1xf32> to vector<1000x128xf32>
    %sub3A_34 = arith.subf %add3A_28, %sub3A_33 : vector<1000x128xf32>
    %mul3A_35 = arith.mulf %sub3A_32, %sub3A_34 : vector<1000x128xf32>
    %reduce_sum3A_36 = arith.constant dense<0.000000e+00> : vector<1000xf32>
    %reduce_sum3A_37 = vector.multi_reduction <add>, %mul3A_35, %reduce_sum3A_36 [1] : vector<1000x128xf32> to vector<1000xf32>
    %broadcast_in_dim3A_38 = vector.shape_cast %reduce_sum3A_37 : vector<1000xf32> to vector<1000x1xf32>
    %div3A_39 = arith.constant 1.280000e+02 : f32
    %div3A_40 = vector.broadcast %div3A_39 : f32 to vector<1000x1xf32>
    %div3A_41 = arith.divf %broadcast_in_dim3A_38, %div3A_40 : vector<1000x1xf32>
    %sub3A_42 = vector.broadcast %div3A_31 : vector<1000x1xf32> to vector<1000x128xf32>
    %sub3A_43 = arith.subf %add3A_28, %sub3A_42 : vector<1000x128xf32>
    %add3A_44 = arith.constant 9.99999974E-6 : f32
    %add3A_45 = vector.broadcast %add3A_44 : f32 to vector<1000x1xf32>
    %add3A_46 = arith.addf %div3A_41, %add3A_45 : vector<1000x1xf32>
    %sqrt3A = math.sqrt %add3A_46 : vector<1000x1xf32>
    %div3A_47 = vector.broadcast %sqrt3A : vector<1000x1xf32> to vector<1000x128xf32>
    %div3A_48 = arith.divf %sub3A_43, %div3A_47 : vector<1000x128xf32>
    %get3A_49 = arith.constant 0 : index
    %get3A_50 = arith.constant 0 : index
    %get3A_51 = vector.load %arg6[%get3A_49, %get3A_50] : memref<1x128xf32, #tpu.memory_space<vmem>>, vector<1x128xf32>
    %mul3A_52 = vector.broadcast %get3A_51 : vector<1x128xf32> to vector<1000x128xf32>
    %mul3A_53 = arith.mulf %div3A_48, %mul3A_52 : vector<1000x128xf32>
    %get3A_54 = arith.constant 0 : index
    %get3A_55 = arith.constant 0 : index
    %get3A_56 = vector.load %arg7[%get3A_54, %get3A_55] : memref<1x128xf32, #tpu.memory_space<vmem>>, vector<1x128xf32>
    %add3A_57 = vector.broadcast %get3A_56 : vector<1x128xf32> to vector<1000x128xf32>
    %add3A_58 = arith.addf %mul3A_53, %add3A_57 : vector<1000x128xf32>
    %max3A = arith.constant 0.000000e+00 : f32
    %max3A_59 = vector.broadcast %max3A : f32 to vector<1000x128xf32>
    %max3A_60 = arith.maximumf %add3A_58, %max3A_59 : vector<1000x128xf32>
    %get3A_61 = arith.constant 0 : index
    %get3A_62 = arith.constant 0 : index
    %get3A_63 = vector.load %arg8[%get3A_61, %get3A_62] : memref<128x128xf32, #tpu.memory_space<vmem>>, vector<128x128xf32>
    %dot_general3A_64 = arith.constant dense<0.000000e+00> : vector<1000x128xf32>
    %dot_general3A_65 = tpu.matmul %max3A_60, %get3A_63, %dot_general3A_64 {dimension_numbers = #tpu.dot_dimension_numbers<[1], [0], [0], [1], [0, 0, 1, 1], [], []>, precision = #tpu.contract_precision<fp32>, transpose_lhs_hint = false} : vector<1000x128xf32>, vector<128x128xf32>, vector<1000x128xf32> -> vector<1000x128xf32>
    %get3A_66 = arith.constant 0 : index
    %get3A_67 = arith.constant 0 : index
    %get3A_68 = vector.load %arg9[%get3A_66, %get3A_67] : memref<1x128xf32, #tpu.memory_space<vmem>>, vector<1x128xf32>
    %add3A_69 = vector.broadcast %get3A_68 : vector<1x128xf32> to vector<1000x128xf32>
    %add3A_70 = arith.addf %dot_general3A_65, %add3A_69 : vector<1000x128xf32>
    %swap3A = arith.constant 0 : index
    %swap3A_71 = arith.constant 0 : index
    %swap3A_72 = vector.load %arg10[%swap3A, %swap3A_71] : memref<1000x128xf32, #tpu.memory_space<vmem>>, vector<1000x128xf32>
    tpu.vector_store %arg10[%swap3A, %swap3A_71], %add3A_70 {strides = array<i32>} : memref<1000x128xf32, #tpu.memory_space<vmem>>, vector<1000x128xf32>,
    return
  }
  func.func @transform_0(%arg0: i32) -> (i32, i32) {
    %c0_i32 = arith.constant 0 : i32
    %c0_i32_0 = arith.constant 0 : i32
    %c0_i32_1 = arith.constant 0 : i32
    return %c0_i32, %c0_i32_0 : i32, i32
  }
  func.func @transform_1(%arg0: i32) -> (i32, i32) {
    %c0_i32 = arith.constant 0 : i32
    %c0_i32_0 = arith.constant 0 : i32
    return %arg0, %c0_i32 : i32, i32
  }
  func.func @transform_2(%arg0: i32) -> (i32, i32, i32) {
    %c0_i32 = arith.constant 0 : i32
    %c0_i32_0 = arith.constant 0 : i32
    %c0_i32_1 = arith.constant 0 : i32
    return %c0_i32, %arg0, %c0_i32_0 : i32, i32, i32
  }
  func.func @transform_3(%arg0: i32) -> (i32, i32) {
    %c0_i32 = arith.constant 0 : i32
    %c0_i32_0 = arith.constant 0 : i32
    %c0_i32_1 = arith.constant 0 : i32
    return %c0_i32, %c0_i32_0 : i32, i32
  }
  func.func @transform_4(%arg0: i32) -> (i32, i32) {
    %c0_i32 = arith.constant 0 : i32
    %c0_i32_0 = arith.constant 0 : i32
    %c0_i32_1 = arith.constant 0 : i32
    return %c0_i32, %c0_i32_0 : i32, i32
  }
  func.func @transform_5(%arg0: i32) -> (i32, i32) {
    %c0_i32 = arith.constant 0 : i32
    %c0_i32_0 = arith.constant 0 : i32
    %c0_i32_1 = arith.constant 0 : i32
    return %c0_i32, %c0_i32_0 : i32, i32
  }
  func.func @transform_6(%arg0: i32) -> (i32, i32) {
    %c0_i32 = arith.constant 0 : i32
    %c0_i32_0 = arith.constant 0 : i32
    %c0_i32_1 = arith.constant 0 : i32
    return %c0_i32, %c0_i32_0 : i32, i32
  }
  func.func @transform_7(%arg0: i32) -> (i32, i32) {
    %c0_i32 = arith.constant 0 : i32
    %c0_i32_0 = arith.constant 0 : i32
    %c0_i32_1 = arith.constant 0 : i32
    return %c0_i32, %c0_i32_0 : i32, i32
  }
  func.func @transform_8(%arg0: i32) -> (i32, i32) {
    %c0_i32 = arith.constant 0 : i32
    %c0_i32_0 = arith.constant 0 : i32
    %c0_i32_1 = arith.constant 0 : i32
    return %c0_i32, %c0_i32_0 : i32, i32
  }
  func.func @transform_9(%arg0: i32) -> (i32, i32) {
    %c0_i32 = arith.constant 0 : i32
    %c0_i32_0 = arith.constant 0 : i32
    return %arg0, %c0_i32 : i32, i32
  }
}

module attributes {stable_mosaic.version = 14 : i64} {
  func.func @_y_body(%arg0: i32, %arg1: memref<1000x128xf32, #tpu.memory_space<vmem>>, %arg2: memref<4x128xf32, #tpu.memory_space<vmem>>, %arg3: memref<4x1000x128xf32, #tpu.memory_space<vmem>>) attributes {dimension_semantics = [#tpu.dimension_semantics<arbitrary>], iteration_bounds = array<i64: 10>, scalar_prefetch = 0 : i64, scratch_operands = 0 : i64, tpu.core_type = #tpu.core_type<tc>, window_params = [{transform_indices = @transform_0, window_bounds = array<i64: 1000, 128>}, {pipeline_mode = #tpu.pipeline_mode<synchronous>, transform_indices = @transform_1, window_bounds = array<i64: 4, 128>}, {transform_indices = @transform_2, window_bounds = array<i64: 4, 1000, 128>}]} {
    %get3A = arith.constant 0 : index
    %get3A_0 = arith.constant 0 : index
    %get3A_1 = vector.load %arg1[%get3A, %get3A_0] : memref<1000x128xf32, #tpu.memory_space<vmem>>, vector<1000x128xf32>
    %broadcast_in_dim3A = vector.shape_cast %get3A_1 : vector<1000x128xf32> to vector<1x1000x128xf32>
    %get3A_2 = arith.constant 0 : index
    %get3A_3 = arith.constant 0 : index
    %get3A_4 = vector.load %arg2[%get3A_2, %get3A_3] : memref<4x128xf32, #tpu.memory_space<vmem>>, vector<4x128xf32>
    %broadcast_in_dim3A_5 = vector.shape_cast %get3A_4 : vector<4x128xf32> to vector<4x1x128xf32>
    %add3A = vector.broadcast %broadcast_in_dim3A : vector<1x1000x128xf32> to vector<4x1000x128xf32>
    %add3A_6 = vector.broadcast %broadcast_in_dim3A_5 : vector<4x1x128xf32> to vector<4x1000x128xf32>
    %add3A_7 = arith.addf %add3A, %add3A_6 : vector<4x1000x128xf32>
    %max3A = arith.constant 0.000000e+00 : f32
    %max3A_8 = vector.broadcast %max3A : f32 to vector<4x1000x128xf32>
    %max3A_9 = arith.maximumf %add3A_7, %max3A_8 : vector<4x1000x128xf32>
    %swap3A = arith.constant 0 : index
    %swap3A_10 = arith.constant 0 : index
    %swap3A_11 = arith.constant 0 : index
    %swap3A_12 = vector.load %arg3[%swap3A, %swap3A_10, %swap3A_11] : memref<4x1000x128xf32, #tpu.memory_space<vmem>>, vector<4x1000x128xf32>
    tpu.vector_store %arg3[%swap3A, %swap3A_10, %swap3A_11], %max3A_9 {strides = array<i32>} : memref<4x1000x128xf32, #tpu.memory_space<vmem>>, vector<4x1000x128xf32>,
    return
  }
  func.func @transform_0(%arg0: i32) -> (i32, i32) {
    %c0_i32 = arith.constant 0 : i32
    %c0_i32_0 = arith.constant 0 : i32
    return %arg0, %c0_i32 : i32, i32
  }
  func.func @transform_1(%arg0: i32) -> (i32, i32) {
    %c0_i32 = arith.constant 0 : i32
    %c0_i32_0 = arith.constant 0 : i32
    %c0_i32_1 = arith.constant 0 : i32
    return %c0_i32, %c0_i32_0 : i32, i32
  }
  func.func @transform_2(%arg0: i32) -> (i32, i32, i32) {
    %c0_i32 = arith.constant 0 : i32
    %c0_i32_0 = arith.constant 0 : i32
    %c0_i32_1 = arith.constant 0 : i32
    return %c0_i32, %arg0, %c0_i32_0 : i32, i32, i32
  }
}

</mosaic_0001>

<sc_bundles>
// kernel: kernel.6.cloned.1.call-start
scs
__scs_entry_jumppad:
0x0: {  	(pc) =	sbr.rel $0x88, $3  }
0x1: {  	(tag) =	ssettag $0x0;
	lr =	simm.s32 $0x1  }
0x2: {  	[smem:$0x3F96] =	sst lr;
	_ =	strace $0xD0000000  }
0x3: {  	_ = 	snop  }
0x4: {  	_ = 	snop  }
0x5: {  	_ = 	snop  }
0x6: {  	_ = 	snop  }
0x7: {  	_ = 	snop  }
__scs_overlays_trampoline_lowered:
0x8: {  	[smem:$0x3FA5] =	sst s0  }
0x9: {  	[smem:$0x3FA6] =	sst s1  }
0xa: {  	[smem:$0x3FA7] =	sst s2  }
0xb: {  	[smem:$0x3FA8] =	sst s3  }
0xc: {  	[smem:$0x3FA9] =	sst s4  }
0xd: {  	[smem:$0x3FAA] =	sst s5  }
0xe: {  	[smem:$0x3FAB] =	sst s6  }
0xf: {  	[smem:$0x3FAC] =	sst s7  }
0x10: {  	[smem:$0x3FAD] =	sst s8  }
0x11: {  	[smem:$0x3FAE] =	sst s9;
	s0 =	simm.s32 @!p0 $0x0  }
0x12: {  	s1 =	sld [smem:$0x3F94];
	s0 =	simm.s32 @p0 $0x1  }
0x13: {  	[smem:$0x3FAF] =	sst s0;
	s0 =	simm.s32 @!p1 $0x0  }
0x14: {  	s2 =	sld [smem:$0x3F93];
	s0 =	simm.s32 @p1 $0x1  }
0x15: {  	[smem:$0x3FB0] =	sst s0;
	s0 =	simm.s32 @!p2 $0x0  }
0x16: {  	s3 =	sld [smem:$0x3FDB];
	s0 =	simm.s32 @p2 $0x1  }
0x17: {  	s4 =	simm.s32 $0x1BF5;
	[smem:$0x3FB2] =	sst s0  }
0x18: {  	s0 =	sld [smem:$0x3F95];
	_ =	swait.ge [sflag:s4], $0x0  }
0x19: {  	s7 =	sld [smem:$0x3F96]  }
0x1a: {  	s8 =	sadd.s32 $0xFFFFE003, lr  }
0x1b: {  	s9 =	sadd.s32 $0xFFFFFEF7, lr;
	s5 =	simm.s32 $0xFFFFFFFF;
	p2 =	slt.u32 s8, $0xFFFFF086  }
0x1c: {  	p1 =	slt.u32 s9, $0xF7A;
	s5 =	simm.s32 @!p2 $0x0  }
0x1d: {  	s5 =	simm.s32 @p1 $0x1;
	p0 =	seq.s32 s7, s2  }
0x1e: {  	s7 =	smul.u32 @!p0 $0xF7A, s2;
	p2 =	seq.s32 @!p0 s5, $0x0  }
0x1f: {  	s9 =	smul.u32 $0xF7A, s1;
	s8 =	simm.s32 @!p0 $0x1BF5;
	p2 =	por !p2, p0  }
0x20: {  	[sflag:s8] =	ssyncset.s32 @!p0 $0xFFFFF086;
	s6 =	sadd.s32 @!p0 s3, s7;
	s7 =	simm.s32 @!p0 $0x108  }
0x21: {  	s3 =	sadd.s32 s3, s9;
	s6 =	sadd.s32 @!p0 $0x88, s6;
	s7 =	simm.s32 @p2 $0x1082  }
0x22: {  	[simem:s7], [sflag:s8] =	dma.local @!p0 [hbm:s6], $0xF7A  }
0x23: {  	s9 =	sor.u32 $0xD0000000, s2;
	s6 =	simm.s32 $0x108;
	_ =	swait.ge @!p0 [sflag:s8], $0x0  }
0x24: {  	s3 =	sadd.s32 $0x88, s3;
	s6 =	simm.s32 @!p1 $0x1082;
	[sflag:s4] =	ssyncset.s32 $0xFFFFF086  }
0x25: {  	[simem:s6], [sflag:s4] =	dma.local [hbm:s3], $0xF7A  }
0x26: {  	[smem:$0x3F96] =	sst s1;
	(tag) =	ssettag s2;
	_ =	strace s9  }
0x27: {  	s1 =	sld [smem:$0x3FA6]  }
0x28: {  	s2 =	sld [smem:$0x3FA7]  }
0x29: {  	s4 =	sld [smem:$0x3FA9]  }
0x2a: {  	p0 =	seq.s32 s5, $0x0;
	s5 =	sld [smem:$0x3FAA]  }
0x2b: {  	s6 =	sld [smem:$0x3FAB]  }
0x2c: {  	s7 =	sld [smem:$0x3FAC]  }
0x2d: {  	s3 =	simm.s32 $0x108;
	s8 =	sld [smem:$0x3FAD]  }
0x2e: {  	s3 =	simm.s32 @!p0 $0x1082;
	s9 =	sld [smem:$0x3FAE]  }
0x2f: {  	lr =	sadd.s32 s0, s3;
	s0 =	sld [smem:$0x3FA5]  }
0x30: {  	s3 =	sld [smem:$0x3FA8]  }
0x31: {  	[smem:$0x3FB1] =	sst s10  }
0x32: {  	s10 =	sld [smem:$0x3FAF];
	_ =	sdelay $0x3  }
0x33: {  	p0 =	seq.s32 s10, $0x1;
	s10 =	sld [smem:$0x3FB1];
	_ =	sdelay $0x3  }
0x34: {  	[smem:$0x3FB1] =	sst s10  }
0x35: {  	s10 =	sld [smem:$0x3FB0];
	_ =	sdelay $0x3  }
0x36: {  	p1 =	seq.s32 s10, $0x1;
	s10 =	sld [smem:$0x3FB1];
	_ =	sdelay $0x3  }
0x37: {  	[smem:$0x3FB1] =	sst s10  }
0x38: {  	s10 =	sld [smem:$0x3FB2]  }
0x39: {  	_ = 	snop;
	(pc) =	sbr.ind lr, $3  }
0x3a: {  	_ = 	snop  }
0x3b: {  	_ = 	snop  }
0x3c: {  	p2 =	seq.s32 s10, $0x1;
	s10 =	sld [smem:$0x3FB1]  }
0x3d: {  	_ =	shalt  }
0x3e: {  	_ =	shalt  }
0x3f: {  	_ =	shalt  }
0x40: {  	_ =	shalt  }
0x41: {  	_ =	shalt  }
0x42: {  	_ =	shalt  }
0x43: {  	_ =	shalt  }
0x44: {  	_ =	shalt  }
0x45: {  	_ =	shalt  }
0x46: {  	_ =	shalt  }
0x47: {  	_ =	shalt  }
0x48: {  	_ =	shalt  }
0x49: {  	_ =	shalt  }
0x4a: {  	_ =	shalt  }
0x4b: {  	_ =	shalt  }
0x4c: {  	_ =	shalt  }
0x4d: {  	_ =	shalt  }
0x4e: {  	_ =	shalt  }
0x4f: {  	_ =	shalt  }
0x50: {  	_ =	shalt  }
0x51: {  	_ =	shalt  }
0x52: {  	_ =	shalt  }
0x53: {  	_ =	shalt  }
0x54: {  	_ =	shalt  }
0x55: {  	_ =	shalt  }
0x56: {  	_ =	shalt  }
0x57: {  	_ =	shalt  }
0x58: {  	_ =	shalt  }
0x59: {  	_ =	shalt  }
0x5a: {  	_ =	shalt  }
0x5b: {  	_ =	shalt  }
0x5c: {  	_ =	shalt  }
0x5d: {  	_ =	shalt  }
0x5e: {  	_ =	shalt  }
0x5f: {  	_ =	shalt  }
0x60: {  	_ =	shalt  }
0x61: {  	_ =	shalt  }
0x62: {  	_ =	shalt  }
0x63: {  	_ =	shalt  }
0x64: {  	_ =	shalt  }
0x65: {  	_ =	shalt  }
0x66: {  	_ =	shalt  }
0x67: {  	_ =	shalt  }
0x68: {  	_ =	shalt  }
0x69: {  	_ =	shalt  }
0x6a: {  	_ =	shalt  }
0x6b: {  	_ =	shalt  }
0x6c: {  	_ =	shalt  }
0x6d: {  	_ =	shalt  }
0x6e: {  	_ =	shalt  }
0x6f: {  	_ =	shalt  }
0x70: {  	_ =	shalt  }
0x71: {  	_ =	shalt  }
0x72: {  	_ =	shalt  }
0x73: {  	_ =	shalt  }
0x74: {  	_ =	shalt  }
0x75: {  	_ =	shalt  }
0x76: {  	_ =	shalt  }
0x77: {  	_ =	shalt  }
0x78: {  	_ =	shalt  }
0x79: {  	_ =	shalt  }
0x7a: {  	_ =	shalt  }
0x7b: {  	_ =	shalt  }
0x7c: {  	_ =	shalt  }
0x7d: {  	_ =	shalt  }
0x7e: {  	_ =	shalt  }
0x7f: {  	_ =	shalt  }
0x80: {  	_ =	shalt  }
0x81: {  	_ =	shalt  }
0x82: {  	_ =	shalt  }
0x83: {  	_ =	shalt  }
0x84: {  	_ =	shalt  }
0x85: {  	_ =	shalt  }
0x86: {  	_ =	shalt  }
0x87: {  	_ =	shalt  }
.Lfunc_end0:
.L_simem_size_0:
called_computation_lowered:
.L_overlay_start_0:
0x88: {  	s2 =	sld [smem:$0x3FD9]  }
0x89: {  	s3 =	sld [smem:$0x3FFE];
	_ =	sdelay $0x1  }
0x8a: {  	s1 =	srdreg.scid  }
0x8b: {  	s0 =	sand.u32 $0x1, s1  }
0x8c: {  	s17 =	sshll.u32 s0, $0xA;
	s2 =	sadd.s32 s3, s2  }
0x8d: {  	s2 =	sadd.s32 s2, s17  }
0x8e: {  	[smem:$0x3FBD] =	sst s2  }
0x8f: {  	_ = 	snop  }
0x90: {  	s2 =	sld [smem:$0x3FD0];
	(tm) =	ssettm $0x1  }
0x91: {  	s18 =	sld [smem:$0x3FFB];
	_ =	sdelay $0x3  }
0x92: {  	_ =	strace s18  }
0x93: {  	s3 =	sld [smem:$0x3FFC];
	_ =	sdelay $0x3  }
0x94: {  	_ =	strace s3  }
0x95: {  	s3 =	sld [smem:$0x3FFD];
	_ =	sdelay $0x3  }
0x96: {  	_ =	strace s3  }
0x97: {  	_ =	strace $0x8FFFFFFF  }
0x98: {  	s19 =	sld [smem:$0x3FDB];
	_ =	sdelay $0x1  }
0x99: {  	s4 =	simm.s32 $_scs_section_size  }
0x9a: {  	s5 =	simm.s32 $_size__tile_overlayer_lowered;
	s6 =	simm.s32 $_tile_overlayer_lowered  }
0x9b: {  	s22 =	simm.s32 $0x1BFF;
	s21 =	sshll.u32 s6, $0x1;
	s3 =	sadd.s32 s4, s19  }
0x9c: {  	s7 =	simm.s32 $0x0;
	s20 =	sshll.u32 s5, $0x1;
	s5 =	sadd.s32 s21, s3  }
0x9d: {  	[timem:s7], [sflag:s22] =	dma.local [hbm:s5], s20  }
0x9e: {  	_ =	swait.ge [sflag:s22], s20  }
0x9f: {  	s4 =	ssub.s32 $0x0, s20;
	[sflag:s22] =	ssyncset.done $0x0  }
0xa0: {  	[sflag:s22] =	ssyncadd.s32 s4;
	_ =	sdelay $0x1  }
0xa1: {  	s23 =	simm.s32 $0x1B8B  }
0xa2: {  	_ =	swait.ge [sflag:s23], $0x1  }
0xa3: {  	[sflag:s23] =	ssyncset.done $0x0  }
0xa4: {  	s25 =	simm.s32 $0x1B8E;
	s24 =	sld [smem:$0x3FFE];
	[sflag:s23] =	ssyncadd.s32 $0xFFFFFFFF  }
0xa5: {  	s26 =	simm.s32 $execute0_lowered;
	[smem:$0x3FD2] =	sst s25  }
0xa6: {  	s5 =	sshll.u32 s26, $0x1;
	_ =	strace $0x80000046;
	[dreg:$0x1] =	wrdreg $0xFFFFFFFF  }
0xa7: {  	s28 =	simm.s32 $_size_execute0_lowered;
	s3 =	sadd.s32 s3, s5;
	[dreg:$0x0] =	wrdreg $0x0  }
0xa8: {  	s5 =	sshll.u32 s28, $0x1;
	[dreg:$0x2] =	wrdreg s3  }
0xa9: {  	[dreg:$0x3] =	wrdreg s5  }
0xaa: {  	[dreg:$0x4] =	wrdreg $0xC0  }
0xab: {  	_ =	task [dreg:s7], $0x5FFFF  }
0xac: {  	[dreg:$0x1] =	wrdreg $0xFFFFFFFF  }
0xad: {  	[dreg:$0x0] =	wrdreg $0x60  }
0xae: {  	[dreg:$0x2] =	wrdreg s24  }
0xaf: {  	[dreg:$0x3] =	wrdreg s2  }
0xb0: {  	[dreg:$0x4] =	wrdreg $0x38000  }
0xb1: {  	[dreg:$0x5] =	wrdreg $0x9  }
0xb2: {  	_ =	task.clear_ibuf [dreg:s7], $0x6FFFF;
	_ =	strace $0x90000046  }
0xb3: {  	s29 =	simm.s32 $0x9;
	_ =	strace $0x80000048  }
0xb4: {  	_ =	swait.ge [sflag:s29], $0x1  }
0xb5: {  	[sflag:s29] =	ssyncadd.s32 $0xFFFFFFFF  }
0xb6: {  	_ =	strace $0x90000048  }
0xb7: {  	_ =	sfence  }
0xb8: {  	s30 =	sld [smem:$0x0];
	_ =	sdelay $0x2  }
0xb9: {  	s31 =	sshll.u32 s1, $0xD;
	s1 =	sshrl.u32 s1, $0x2  }
0xba: {  	s3 =	sand.u32 $0x4000, s31;
	s1 =	sadd.s32 s1, s30  }
0xbb: {  	s0 =	sor.u32 s3, s0;
	s1 =	sshll.u32 s1, $0x11  }
0xbc: {  	s0 =	sor.u32 s1, s0  }
0xbd: {  	s0 =	sadd.s32 $0x8F2B, s0  }
0xbe: {  	[sflag:s0] =	ssyncadd.remote.s32 $0x1  }
0xbf: {  	_ =	sfence.sel $0xFFFF  }
0xc0: {  	[dreg:$0x0] =	wrdreg $0xFFFFFFFF;
	(pc) =	sbr.abs _section_cstart, $3  }
0xc1: {  	[dreg:$0x1] =	wrdreg $0xFFFFFFFF  }
0xc2: {  	_ =	task.clear_ibuf [dreg:s7], $0x2FFFF;
	_ =	strace $0x9FFFFFFF  }
0xc3: {  	(tm) =	ssettm $0x7FFFFFFF  }
tec
execute0_lowered:
.L_overlay_start_1:
0x0: {  	(tag) =	ssettag $0x1  }
0x1: {  	s7 =	rddreg [dreg:$0x0]  }
0x2: {  	s1 =	rddreg [dreg:$0x1]  }
0x3: {  	s2 =	rddreg [dreg:$0x2]  }
0x4: {  	s3 =	srdreg.scid;
	s0 =	rddreg [dreg:$0x3]  }
0x5: {  	s4 =	simm.s32 $0x0;
	s19 =	simm.s32 $0x1;
	s20 =	simm.s32 $0x800  }
0x6: {  	s21 =	simm.s32 $0x50;
	s15 =	sand.u32 $0x1, s3;
	s3 =	stileid.u32  }
0x7: {  	[smem:$0x7FF] =	sst s4;
	s5 =	sadd.s32 $0x11600, s7;
	s8 =	smul.u32 $0x140000, s15  }
0x8: {  	s6 =	sadd.s32 $0x1600, s7;
	s9 =	smul.u32 $0x14000, s3;
	_ =	strace $0x80000047  }
0x9: {  	s10 =	smul.u32 $0x50000, s3;
	s31 =	ssub.s32 $0x2, s15;
	s15 =	sshll.u32 s15, $0xF  }
0xa: {  	s18 =	sshll.u32 s3, $0xB;
	s22 =	sshll.u32 s3, $0x6;
	s11 =	sshrl.u32 s31, $0x1  }
0xb: {  	s15 =	sor.u32 s18, s15;
	s18 =	simm.s32 $0x1000;
	s8 =	sadd.s32 s9, s8  }
0xc: {  	s22 =	sor.u32 $0x1C01, s22;
	s10 =	sshrl.u32 s10, $0x2;
	s8 =	sshrl.u32 s8, $0x3  }
0xd: {  	s17 =	ssub.s32 s31, s11;
	s16 =	sadd.s32 s8, s7;
	s7 =	sadd.s32 s10, s2  }
0xe: {  	s17 =	smax.u32 s17, $0x1;
	s8 =	sadd.s32 $0x2800, s7;
	s9 =	sadd.s32 $0x5000, s7  }
0xf: {  	s10 =	sadd.s32 $0x7800, s7;
	s11 =	sadd.s32 $0xA000, s7;
	s12 =	sadd.s32 $0xC800, s7  }
0x10: {  	v0 =	vimm.f32 $0.0e+00;
	s13 =	sadd.s32 $0xF000, s7;
	s14 =	sadd.s32 $0x11800, s7;
	s16 =	sadd.s32 $0xADA00, s16  }
.LBB2_1:
0x11: {  	s23 =	simm.s32 $0x0;
	s24 =	simm.s32 $0x200  }
.LBB2_2:
0x12: {  	p0 =	sne.s32 s24, $0x9E00;
	[tilespmem:s23+$0x1070] =	vst v0  }
0x13: {  	[tilespmem:s23+$0x1000] =	vst v0  }
0x14: {  	[tilespmem:s23+$0x1010] =	vst v0  }
.Ltmp0:
0x15: {  	[tilespmem:s23+$0x1020] =	vst v0;
	(pc) =	sbr.rel @p0 .LBB2_2-.Ltmp0, $4  }
0x16: {  	[tilespmem:s23+$0x1030] =	vst v0  }
0x17: {  	[tilespmem:s23+$0x1040] =	vst v0  }
0x18: {  	[tilespmem:s23+$0x1050] =	vst v0  }
0x19: {  	[tilespmem:s23+$0x1060] =	vst v0;
	s23 =	sshra.s32 s24, $0x2;
	s24 =	sadd.s32 $0x200, s24  }
0x1a: {  	[tilespmem:s23+$0x1070] =	vst v0  }
0x1b: {  	[tilespmem:s23+$0x1000] =	vst v0  }
0x1c: {  	[tilespmem:s23+$0x1010] =	vst v0  }
0x1d: {  	[tilespmem:s23+$0x1020] =	vst v0  }
0x1e: {  	[tilespmem:s23+$0x1030] =	vst v0  }
0x1f: {  	[tilespmem:s23+$0x1040] =	vst v0  }
0x20: {  	[tilespmem:s23+$0x1050] =	vst v0  }
0x21: {  	[tilespmem:s23+$0x1060] =	vst v0  }
0x22: {  	[spmem:s7] =	stream.linear.scatter [tilespmem:s18], [sflag:$0x1], $0x2800, $0x38;
	[tilespmem:$0x17800] =	vst v63  }
0x23: {  	_ =	swait.ge [sflag:s19], $0x2800  }
0x24: {  	[sflag:s19] =	ssyncset.done $0x0  }
0x25: {  	[sflag:s19] =	ssyncadd.s32 $0xFFFFD800  }
0x26: {  	[spmem:s8] =	stream.linear.scatter [tilespmem:s18], [sflag:$0x1], $0x2800, $0x38;
	[tilespmem:$0x17800] =	vst v63  }
0x27: {  	_ =	swait.ge [sflag:s19], $0x2800  }
0x28: {  	[sflag:s19] =	ssyncset.done $0x0  }
0x29: {  	[sflag:s19] =	ssyncadd.s32 $0xFFFFD800  }
0x2a: {  	[spmem:s9] =	stream.linear.scatter [tilespmem:s18], [sflag:$0x1], $0x2800, $0x38;
	[tilespmem:$0x17800] =	vst v63  }
0x2b: {  	_ =	swait.ge [sflag:s19], $0x2800  }
0x2c: {  	[sflag:s19] =	ssyncset.done $0x0  }
0x2d: {  	[sflag:s19] =	ssyncadd.s32 $0xFFFFD800  }
0x2e: {  	[spmem:s10] =	stream.linear.scatter [tilespmem:s18], [sflag:$0x1], $0x2800, $0x38;
	[tilespmem:$0x17800] =	vst v63  }
0x2f: {  	_ =	swait.ge [sflag:s19], $0x2800  }
0x30: {  	[sflag:s19] =	ssyncset.done $0x0  }
0x31: {  	[sflag:s19] =	ssyncadd.s32 $0xFFFFD800  }
0x32: {  	[spmem:s11] =	stream.linear.scatter [tilespmem:s18], [sflag:$0x1], $0x2800, $0x38;
	[tilespmem:$0x17800] =	vst v63  }
0x33: {  	_ =	swait.ge [sflag:s19], $0x2800  }
0x34: {  	[sflag:s19] =	ssyncset.done $0x0  }
0x35: {  	[sflag:s19] =	ssyncadd.s32 $0xFFFFD800  }
0x36: {  	[spmem:s12] =	stream.linear.scatter [tilespmem:s18], [sflag:$0x1], $0x2800, $0x38;
	[tilespmem:$0x17800] =	vst v63  }
0x37: {  	_ =	swait.ge [sflag:s19], $0x2800  }
0x38: {  	[sflag:s19] =	ssyncset.done $0x0  }
0x39: {  	[sflag:s19] =	ssyncadd.s32 $0xFFFFD800  }
0x3a: {  	[spmem:s13] =	stream.linear.scatter [tilespmem:s18], [sflag:$0x1], $0x2800, $0x38;
	[tilespmem:$0x17800] =	vst v63  }
0x3b: {  	_ =	swait.ge [sflag:s19], $0x2800  }
0x3c: {  	[sflag:s19] =	ssyncset.done $0x0  }
0x3d: {  	[sflag:s19] =	ssyncadd.s32 $0xFFFFD800  }
0x3e: {  	[spmem:s14] =	stream.linear.scatter [tilespmem:s18], [sflag:$0x1], $0x2800, $0x38;
	[tilespmem:$0x17800] =	vst v63  }
0x3f: {  	_ =	swait.ge [sflag:s19], $0x2800  }
0x40: {  	[sflag:s19] =	ssyncset.done $0x0  }
0x41: {  	[sflag:s19] =	ssyncadd.s32 $0xFFFFD800  }
0x42: {  	s23 =	simm.s32 $0x0;
	s24 =	simm.s32 $0x0;
	[bflag:$0x0] =	sbarrier.arrive $0xFFFF  }
.LBB2_4:
0x43: {  	s25 =	sshll.u32 s24, $0x8  }
0x44: {  	s25 =	sadd.s32 s15, s25  }
0x45: {  	s26 =	sadd.s32 s1, s25  }
0x46: {  	[tilespmem:s23], [sflag:$0x1] =	stream.linear.gather [hbm4b:s26+s23], $0x800, $0x38;
	[tilespmem:$0x17800] =	vst v63  }
0x47: {  	_ =	swait.ge [sflag:s19], $0x800  }
0x48: {  	[sflag:s19] =	ssyncset.done $0x0  }
0x49: {  	s25 =	sadd.s32 s6, s25;
	[sflag:s19] =	ssyncadd.s32 $0xFFFFF800  }
0x4a: {  	[tilespmem:s20], [sflag:$0x1] =	stream.linear.gather [hbm4b:s25+s23], $0x800, $0x38;
	[tilespmem:$0x17800] =	vst v63  }
0x4b: {  	_ =	swait.ge [sflag:s19], $0x800  }
0x4c: {  	[sflag:s19] =	ssyncset.done $0x0  }
0x4d: {  	s30 =	simm.s32 $0x0;
	[sflag:s19] =	ssyncadd.s32 $0xFFFFF800  }
0x4e: {  	[tilespmem:s18], [sflag:$0x1] =	stream.indirect.gather [hbm4b:s5+s21], $0x80, s30, s21, $0xb8;
	[tilespmem:$0x17800] =	vst v63  }
0x4f: {  	_ =	swait.ge [sflag:s19], $0x2800  }
0x50: {  	[sflag:s19] =	ssyncset.done $0x0  }
0x51: {  	s31 =	simm.s32 $0x800;
	[sflag:s19] =	ssyncadd.s32 $0xFFFFD800  }
0x52: {  	[spmem:s2] =	stream.indirect.scatter.add.f32 [tilespmem:s18], [sflag:$0x1], $0x80, s31, s21, $0xb8;
	[tilespmem:$0x17800] =	vst v63  }
0x53: {  	_ =	swait.ge [sflag:s19], $0x2800  }
0x54: {  	s26 =	simm.s32 $0x400;
	s25 =	simm.s32 $0x200;
	[sflag:s19] =	ssyncset.done $0x0  }
.LBB2_5:
0x55: {  	s28 =	sshra.s32 s25, $0x2  }
0x56: {  	[sflag:s19] =	ssyncadd.s32 $0xFFFFD800;
	s25 =	smov.u32 s26;
	s29 =	sadd.s32 $0x200, s26  }
0x57: {  	[tilespmem:s18], [sflag:$0x1] =	stream.indirect.gather [hbm4b:s5+s21], $0x80, s28, s21, $0xb8;
	[tilespmem:$0x17800] =	vst v63  }
0x58: {  	p0 =	sne.s32 s26, $0x1E00;
	_ =	swait.ge [sflag:s19], $0x2800  }
.Ltmp1:
0x59: {  	[sflag:s19] =	ssyncset.done $0x0;
	(pc) =	sbr.rel @p0 .LBB2_5-.Ltmp1, $4  }
0x5a: {  	s26 =	sadd.s32 $0x800, s28;
	[sflag:s19] =	ssyncadd.s32 $0xFFFFD800  }
0x5b: {  	[spmem:s2] =	stream.indirect.scatter.add.f32 [tilespmem:s18], [sflag:$0x1], $0x80, s26, s21, $0xb8;
	[tilespmem:$0x17800] =	vst v63  }
0x5c: {  	_ =	swait.ge [sflag:s19], $0x2800  }
0x5d: {  	s26 =	smov.u32 s29;
	[sflag:s19] =	ssyncset.done $0x0  }
0x5e: {  	s25 =	sshra.s32 s25, $0x2;
	[sflag:s19] =	ssyncadd.s32 $0xFFFFD800  }
0x5f: {  	[tilespmem:s18], [sflag:$0x1] =	stream.indirect.gather [hbm4b:s5+s21], $0x80, s25, s21, $0xb8;
	[tilespmem:$0x17800] =	vst v63  }
0x60: {  	s24 =	sadd.s32 $0x1, s24;
	_ =	swait.ge [sflag:s19], $0x2800  }
0x61: {  	p0 =	sne.s32 s24, $0x8;
	[sflag:s19] =	ssyncset.done $0x0  }
.Ltmp2:
0x62: {  	s25 =	sadd.s32 $0x800, s25;
	[sflag:s19] =	ssyncadd.s32 $0xFFFFD800;
	(pc) =	sbr.rel @p0 .LBB2_4-.Ltmp2, $4  }
0x63: {  	[spmem:s2] =	stream.indirect.scatter.add.f32 [tilespmem:s18], [sflag:$0x1], $0x80, s25, s21, $0xb8;
	[tilespmem:$0x17800] =	vst v63  }
0x64: {  	_ =	swait.ge [sflag:s19], $0x2800  }
0x65: {  	[sflag:s19] =	ssyncset.done $0x0  }
0x66: {  	[sflag:s19] =	ssyncadd.s32 $0xFFFFD800  }
0x67: {  	s4 =	sadd.s32 $0x1, s4  }
0x68: {  	p0 =	sne.s32 s4, s17  }
.Ltmp3:
0x69: {  	[bflag:$0x0] =	sbarrier.arrive $0xFFFF;
	s23 =	sshrl.u32 s7, $0x3;
	(pc) =	sbr.rel @p0 .LBB2_1-.Ltmp3, $4  }
0x6a: {  	[hbm:s16], [sflag:s22] =	dma.local [spmem:s23], $0x2800  }
0x6b: {  	_ =	swait.ge [sflag:s19], $0x2800  }
0x6c: {  	[sflag:s19] =	ssyncset.done $0x0  }
0x6d: {  	[sflag:s19] =	ssyncadd.s32 $0xFFFFD800  }
0x6e: {  	_ =	sfence.sel $0x180000  }
0x6f: {  	[bflag:$0x0] =	sbarrier.arrive $0xFFFF  }
0x70: {  	p0 =	sne.s32 s3, $0x0;
	_ =	strace $0x90000047  }
0x71: {  	s0 =	sadd.s32 @!p0 $0x100000, s0;
	[bflag:$0x2] =	sbarrier.arrive $0xFFFF  }
0x72: {  	[sflag:s0] =	ssyncadd.tile.s32 @!p0 $0x1;
	_ =	shalt  }
.Lfunc_end2:
_tile_overlayer_lowered:
.L_overlay_start_2:
0x73: {  	(tag) =	ssettag $0x2  }
0x74: {  	s0 =	rddreg [dreg:$0x0];
	s2 =	stileid.u32  }
0x75: {  	s1 =	rddreg [dreg:$0x1];
	p0 =	sne.s32 s2, $0x0  }
0x76: {  	s3 =	rddreg [dreg:$0x2];
	[bflag:$0x3] =	sbarrier.arrive $0xFFFF;
	s2 =	simm.s32 @!p0 $0x1C01  }
0x77: {  	[timem:s3], [sflag:s2] =	dma.local @!p0 [hbm:s0], s1  }
0x78: {  	s0 =	simm.s32 @!p0 $0x1  }
0x79: {  	_ =	swait.ge @!p0 [sflag:s0], s1  }
0x7a: {  	s1 =	ssub.s32 @!p0 $0x0, s1;
	[sflag:s0] =	ssyncset.done @!p0 $0x0  }
0x7b: {  	[sflag:s0] =	ssyncadd.s32 @!p0 s1  }
0x7c: {  	[bflag:$0x3] =	sbarrier.arrive $0xFFFF  }
0x7d: {  	_ =	shalt  }

</sc_bundles>
